<compile_context>
chip_gen: v7x
topology: tpu7x:2x2x1
jax: 0.10.2.dev20260603
libtpu: 0.0.44.dev20260713+nightly
codegen_flags: <defaults>
</compile_context>

<pallas_src>
import functools

import jax
import jax.numpy as jnp
from jax import lax
from jax.experimental import pallas as pl
from jax.experimental.pallas import tpu as pltpu
from jax.experimental.pallas import tpu_sc as plsc

_N = 50000
_E = 800000
_D = 64
_NC = 2
_NS = 16
_NPASS = 2
_W = 128
_K = 2
_CH = 392
_EPAD = _NS * _W * _CH
_NPS = 3128
_NP = _NS * _NPS
_BD = _D // (_NC * _NPASS)
_LAST = _N - (_NS - 1) * _NPS
_T = _CH // _K


def _sc_body(fb_hbm, ei_hbm, z_hbm, out_hbm, srcv, dstv, rows_a, rows_b,
             acc, gs_a, gs_b, ss_a, ss_b):
    c = lax.axis_index("c")
    s = lax.axis_index("s")
    base = s * _NPS

    pltpu.sync_copy(ei_hbm.at[0, s], srcv)
    pltpu.sync_copy(ei_hbm.at[1, s], dstv)

    def fire_g(t, rbuf, sem):
        for i in range(_K):
            pltpu.async_copy(fb_hbm.at[srcv.at[t * _K + i]], rbuf.at[i], sem)

    def drain_g(rbuf, sem):
        for i in range(_K):
            pltpu.make_async_copy(fb_hbm.at[srcv.at[0]], rbuf.at[i], sem).wait()

    def fire_s(t, rbuf, sem):
        for i in range(_K):
            pltpu.async_copy(rbuf.at[i], acc.at[dstv.at[t * _K + i]], sem,
                             add=True)

    def drain_s(t, rbuf, sem):
        for i in range(_K):
            pltpu.make_async_copy(rbuf.at[i], acc.at[dstv.at[t * _K + i]],
                                  sem).wait()

    @pl.loop(0, _NPASS)
    def _(p):
        pltpu.sync_copy(z_hbm, acc.at[pl.ds(base, _NPS)])

        @pl.when(p == 0)
        def _():
            bvec = jnp.broadcast_to(_NPASS * c, (16,)).astype(jnp.int32)

            @pl.loop(0, _CH)
            def _(j):
                for k in range(8):
                    sl = (j, pl.ds(k * 16, 16))
                    srcv[sl] = srcv[sl] * 4 + bvec

        @pl.when(p != 0)
        def _():
            one = jnp.ones((16,), jnp.int32)

            @pl.loop(0, _CH)
            def _(j):
                for k in range(8):
                    sl = (j, pl.ds(k * 16, 16))
                    srcv[sl] = srcv[sl] + one

        plsc.subcore_barrier()

        fire_g(0, rows_a, gs_a)

        @pl.loop(0, _T // 2)
        def _(u):
            ta = 2 * u
            tb = 2 * u + 1
            fire_g(tb, rows_b, gs_b)
            drain_g(rows_a, gs_a)
            fire_s(ta, rows_a, ss_a)
            drain_g(rows_b, gs_b)
            fire_s(tb, rows_b, ss_b)
            drain_s(ta, rows_a, ss_a)

            @pl.when(u + 1 < _T // 2)
            def _():
                fire_g(ta + 2, rows_a, gs_a)

            drain_s(tb, rows_b, ss_b)

        plsc.subcore_barrier()

        col = _BD * (_NPASS * c + p)

        @pl.when(s == _NS - 1)
        def _():
            pltpu.sync_copy(acc.at[pl.ds(base, _LAST)],
                            out_hbm.at[pl.ds(base, _LAST), pl.ds(col, _BD)])

        @pl.when(s != _NS - 1)
        def _():
            pltpu.sync_copy(acc.at[pl.ds(base, _NPS)],
                            out_hbm.at[pl.ds(base, _NPS), pl.ds(col, _BD)])

        plsc.subcore_barrier()


@jax.jit
def _sc_aggregate_bf(fb, ei_r, z):
    mesh = plsc.VectorSubcoreMesh(core_axis_name="c", subcore_axis_name="s")
    run = pl.kernel(
        _sc_body,
        out_type=jax.ShapeDtypeStruct((_N, _D), jnp.bfloat16),
        mesh=mesh,
        compiler_params=pltpu.CompilerParams(use_tc_tiling_on_sc=False),
        scratch_types=[
            pltpu.VMEM((_CH, _W), jnp.int32),
            pltpu.VMEM((_CH, _W), jnp.int32),
            pltpu.VMEM((_K, _W, _BD), jnp.bfloat16),
            pltpu.VMEM((_K, _W, _BD), jnp.bfloat16),
            pltpu.VMEM_SHARED((_NP, _BD), jnp.bfloat16),
            pltpu.SemaphoreType.DMA,
            pltpu.SemaphoreType.DMA,
            pltpu.SemaphoreType.DMA,
            pltpu.SemaphoreType.DMA,
        ],
    )
    return run(fb, ei_r, z)


def kernel(features, edge_index):
    ei = edge_index.astype(jnp.int32)
    pad = _EPAD - _E
    ei_pad = jnp.concatenate(
        [ei, jnp.stack([jnp.zeros((pad,), jnp.int32),
                        jnp.full((pad,), _NP - 1, jnp.int32)])], axis=1)
    ei_r = ei_pad.reshape(2, _NS, _CH, _W)
    fb = features.astype(jnp.bfloat16).reshape(_N * 4, _BD)
    z = jnp.zeros((_NPS, _BD), jnp.bfloat16)
    return _sc_aggregate_bf(fb, ei_r, z).astype(jnp.float32)

# --- scband reference (transcript-rebuilt; emitter-appended) ---
"""Pipeline reference for scband-user-graph-71906342469898 (READ-ONLY COPY).

The authoritative reference and input builder live on the scoring server;
editing this copy changes nothing except your own understanding.
"""

import jax, jax.numpy as jnp
import numpy as np

N_NODES = 50000
N_EDGES = 800000
D_FEAT = 64


def setup_inputs(seed: int = 0) -> dict:
    key = jax.random.key(seed)
    k1, k2 = jax.random.split(key)
    features = jax.random.normal(k1, (N_NODES, D_FEAT), dtype=jnp.float32)
    edge_index = jax.random.randint(k2, (2, N_EDGES), 0, N_NODES, dtype=jnp.int64)
    return {"features": features, "edge_index": edge_index}


def reference(features, edge_index):
    # User_Graph.forward: u_pre = base_gcn(features, edge_index)
    # BaseModel_gcn (MMGCN-style Base_gcn): message = x_j, aggr='add'
    # i.e. out[dst] = sum over incoming edges of features[src]
    src = edge_index[0]
    dst = edge_index[1]
    msgs = jnp.take(features, src, axis=0)            # gather  [E, d]
    out = jax.ops.segment_sum(msgs, dst, num_segments=features.shape[0])  # scatter-add [N, d]
    return out

if __name__ == "__main__":
    import jax
    _d = setup_inputs()
    print(jax.jit(kernel)(*tuple(_d.values())))

</pallas_src>

<mosaic_0001>
#map = affine_map<(d0, d1) -> (0, 0)>
#map1 = affine_map<(d0, d1) -> (0, 0, 0, 0)>
module attributes {stable_mosaic.version = 14 : i64} {
  func.func @_sc_body(%arg0: i32, %arg1: i32, %arg2: memref<200000x16xbf16, #tpu.memory_space<hbm>>, %arg3: memref<2x16x392x128xi32, #tpu.memory_space<hbm>>, %arg4: memref<3128x16xbf16, #tpu.memory_space<hbm>>, %arg5: memref<50000x64xbf16, #tpu.memory_space<hbm>>, %arg6: memref<392x128xi32, #tpu.memory_space<vmem>>, %arg7: memref<392x128xi32, #tpu.memory_space<vmem>>, %arg8: memref<2x128x16xbf16, #tpu.memory_space<vmem>>, %arg9: memref<2x128x16xbf16, #tpu.memory_space<vmem>>, %arg10: memref<50048x16xbf16, #tpu.memory_space<vmem_shared>>, %arg11: memref<!tpu.dma_semaphore, #tpu.memory_space<semaphore_mem>>, %arg12: memref<!tpu.dma_semaphore, #tpu.memory_space<semaphore_mem>>, %arg13: memref<!tpu.dma_semaphore, #tpu.memory_space<semaphore_mem>>, %arg14: memref<!tpu.dma_semaphore, #tpu.memory_space<semaphore_mem>>) attributes {dimension_semantics = [#tpu.dimension_semantics<core_parallel>, #tpu.dimension_semantics<subcore_parallel>], iteration_bounds = array<i64: 2, 16>, scalar_prefetch = 0 : i64, scratch_operands = 9 : i64, tpu.core_type = #tpu.core_type<sc_vector_subcore>, window_params = [{transform_indices = #map}, {transform_indices = #map1}, {transform_indices = #map}, {transform_indices = #map}]} {
    %mul3A = arith.constant 3128 : i32
    %mul3A_0 = arith.muli %arg1, %mul3A : i32
    %run_scoped3A = arith.constant 0 : i32
    "tpu.region"() ({
      %run_scoped3A_6 = tpu.sem_alloc : memref<!tpu.dma_semaphore, #tpu.memory_space<semaphore_mem>>
      %dma_start3A = arith.constant 0 : i32
      %dma_start3A_7 = arith.constant 0 : i32
      %dma_start3A_8 = tpu.memref_slice %arg3[%run_scoped3A, %arg1, %dma_start3A, %dma_start3A_7] : memref<2x16x392x128xi32, #tpu.memory_space<hbm>> -> memref<1x1x392x128xi32, #tpu.memory_space<hbm>>
      %dma_start3A_9 = tpu.memref_squeeze %dma_start3A_8 : memref<1x1x392x128xi32, #tpu.memory_space<hbm>> -> memref<392x128xi32, #tpu.memory_space<hbm>>
      %dma_start3A_10 = arith.constant 0 : i32
      %dma_start3A_11 = arith.constant 0 : i32
      %dma_start3A_12 = tpu.memref_slice %arg3[%run_scoped3A, %arg1, %dma_start3A_10, %dma_start3A_11] : memref<2x16x392x128xi32, #tpu.memory_space<hbm>> -> memref<1x1x392x128xi32, #tpu.memory_space<hbm>>
      %dma_start3A_13 = tpu.memref_squeeze %dma_start3A_12 : memref<1x1x392x128xi32, #tpu.memory_space<hbm>> -> memref<392x128xi32, #tpu.memory_space<hbm>>
      tpu.enqueue_dma source(%dma_start3A_13 : memref<392x128xi32, #tpu.memory_space<hbm>>) target(%arg6 : memref<392x128xi32, #tpu.memory_space<vmem>>) target_semaphore(%run_scoped3A_6 : memref<!tpu.dma_semaphore, #tpu.memory_space<semaphore_mem>>)
      %dma_wait3A = arith.constant 0 : i32
      %dma_wait3A_14 = arith.constant 0 : i32
      %dma_wait3A_15 = tpu.memref_slice %arg3[%run_scoped3A, %arg1, %dma_wait3A, %dma_wait3A_14] : memref<2x16x392x128xi32, #tpu.memory_space<hbm>> -> memref<1x1x392x128xi32, #tpu.memory_space<hbm>>
      %dma_wait3A_16 = tpu.memref_squeeze %dma_wait3A_15 : memref<1x1x392x128xi32, #tpu.memory_space<hbm>> -> memref<392x128xi32, #tpu.memory_space<hbm>>
      %dma_wait3A_17 = arith.constant 0 : i32
      %dma_wait3A_18 = arith.constant 0 : i32
      %dma_wait3A_19 = tpu.memref_slice %arg3[%run_scoped3A, %arg1, %dma_wait3A_17, %dma_wait3A_18] : memref<2x16x392x128xi32, #tpu.memory_space<hbm>> -> memref<1x1x392x128xi32, #tpu.memory_space<hbm>>
      %dma_wait3A_20 = tpu.memref_squeeze %dma_wait3A_19 : memref<1x1x392x128xi32, #tpu.memory_space<hbm>> -> memref<392x128xi32, #tpu.memory_space<hbm>>
      tpu.wait_dma2 semaphore(%run_scoped3A_6 : memref<!tpu.dma_semaphore, #tpu.memory_space<semaphore_mem>>) src(%dma_wait3A_20 : memref<392x128xi32, #tpu.memory_space<hbm>>) dst(%arg6 : memref<392x128xi32, #tpu.memory_space<vmem>>)
      tpu.yield
    }) : () -> ()
    %run_scoped3A_1 = arith.constant 1 : i32
    "tpu.region"() ({
      %run_scoped3A_6 = tpu.sem_alloc : memref<!tpu.dma_semaphore, #tpu.memory_space<semaphore_mem>>
      %dma_start3A = arith.constant 0 : i32
      %dma_start3A_7 = arith.constant 0 : i32
      %dma_start3A_8 = tpu.memref_slice %arg3[%run_scoped3A_1, %arg1, %dma_start3A, %dma_start3A_7] : memref<2x16x392x128xi32, #tpu.memory_space<hbm>> -> memref<1x1x392x128xi32, #tpu.memory_space<hbm>>
      %dma_start3A_9 = tpu.memref_squeeze %dma_start3A_8 : memref<1x1x392x128xi32, #tpu.memory_space<hbm>> -> memref<392x128xi32, #tpu.memory_space<hbm>>
      %dma_start3A_10 = arith.constant 0 : i32
      %dma_start3A_11 = arith.constant 0 : i32
      %dma_start3A_12 = tpu.memref_slice %arg3[%run_scoped3A_1, %arg1, %dma_start3A_10, %dma_start3A_11] : memref<2x16x392x128xi32, #tpu.memory_space<hbm>> -> memref<1x1x392x128xi32, #tpu.memory_space<hbm>>
      %dma_start3A_13 = tpu.memref_squeeze %dma_start3A_12 : memref<1x1x392x128xi32, #tpu.memory_space<hbm>> -> memref<392x128xi32, #tpu.memory_space<hbm>>
      tpu.enqueue_dma source(%dma_start3A_13 : memref<392x128xi32, #tpu.memory_space<hbm>>) target(%arg7 : memref<392x128xi32, #tpu.memory_space<vmem>>) target_semaphore(%run_scoped3A_6 : memref<!tpu.dma_semaphore, #tpu.memory_space<semaphore_mem>>)
      %dma_wait3A = arith.constant 0 : i32
      %dma_wait3A_14 = arith.constant 0 : i32
      %dma_wait3A_15 = tpu.memref_slice %arg3[%run_scoped3A_1, %arg1, %dma_wait3A, %dma_wait3A_14] : memref<2x16x392x128xi32, #tpu.memory_space<hbm>> -> memref<1x1x392x128xi32, #tpu.memory_space<hbm>>
      %dma_wait3A_16 = tpu.memref_squeeze %dma_wait3A_15 : memref<1x1x392x128xi32, #tpu.memory_space<hbm>> -> memref<392x128xi32, #tpu.memory_space<hbm>>
      %dma_wait3A_17 = arith.constant 0 : i32
      %dma_wait3A_18 = arith.constant 0 : i32
      %dma_wait3A_19 = tpu.memref_slice %arg3[%run_scoped3A_1, %arg1, %dma_wait3A_17, %dma_wait3A_18] : memref<2x16x392x128xi32, #tpu.memory_space<hbm>> -> memref<1x1x392x128xi32, #tpu.memory_space<hbm>>
      %dma_wait3A_20 = tpu.memref_squeeze %dma_wait3A_19 : memref<1x1x392x128xi32, #tpu.memory_space<hbm>> -> memref<392x128xi32, #tpu.memory_space<hbm>>
      tpu.wait_dma2 semaphore(%run_scoped3A_6 : memref<!tpu.dma_semaphore, #tpu.memory_space<semaphore_mem>>) src(%dma_wait3A_20 : memref<392x128xi32, #tpu.memory_space<hbm>>) dst(%arg7 : memref<392x128xi32, #tpu.memory_space<vmem>>)
      tpu.yield
    }) : () -> ()
    %scan3A = arith.constant 0 : i32
    %scan3A_2 = arith.constant 2 : i32
    %scan3A_3 = arith.addi %scan3A, %scan3A_2 : i32
    %scan3A_4 = arith.constant 1 : i32
    scf.for %scan3A_6 = %scan3A to %scan3A_3 step %scan3A_4  : i32 {
      %mul3A_7 = arith.constant 1 : i32
      %mul3A_8 = arith.muli %scan3A_6, %mul3A_7 : i32
      %add3A = arith.constant 0 : i32
      %add3A_9 = arith.addi %add3A, %mul3A_8 : i32
      "tpu.region"() ({
        %run_scoped3A_61 = tpu.sem_alloc : memref<!tpu.dma_semaphore, #tpu.memory_space<semaphore_mem>>
        %dma_start3A_62 = arith.constant 0 : i32
        %dma_start3A_63 = tpu.memref_slice %arg10[%mul3A_0, %dma_start3A_62] : memref<50048x16xbf16, #tpu.memory_space<vmem_shared>> -> memref<3128x16xbf16, #tpu.memory_space<vmem_shared>>
        tpu.enqueue_dma source(%arg4 : memref<3128x16xbf16, #tpu.memory_space<hbm>>) target(%dma_start3A_63 : memref<3128x16xbf16, #tpu.memory_space<vmem_shared>>) target_semaphore(%run_scoped3A_61 : memref<!tpu.dma_semaphore, #tpu.memory_space<semaphore_mem>>)
        %dma_wait3A = arith.constant 0 : i32
        %dma_wait3A_64 = tpu.memref_slice %arg10[%mul3A_0, %dma_wait3A] : memref<50048x16xbf16, #tpu.memory_space<vmem_shared>> -> memref<3128x16xbf16, #tpu.memory_space<vmem_shared>>
        tpu.wait_dma2 semaphore(%run_scoped3A_61 : memref<!tpu.dma_semaphore, #tpu.memory_space<semaphore_mem>>) src(%arg4 : memref<3128x16xbf16, #tpu.memory_space<hbm>>) dst(%dma_wait3A_64 : memref<3128x16xbf16, #tpu.memory_space<vmem_shared>>)
        tpu.yield
      }) : () -> ()
      %eq3A = arith.constant 0 : i32
      %eq3A_10 = arith.cmpi eq, %add3A_9, %eq3A : i32
      %convert_element_type3A = arith.extui %eq3A_10 : i1 to i32
      %cond3A = arith.constant 0 : i32
      %cond3A_11 = arith.cmpi ne, %convert_element_type3A, %cond3A : i32
      scf.if %cond3A_11 {
        %mul3A_61 = arith.constant 2 : i32
        %mul3A_62 = arith.muli %mul3A_61, %arg0 : i32
        %broadcast_in_dim3A = vector.broadcast %mul3A_62 : i32 to vector<16xi32>
        %scan3A_63 = arith.constant 0 : i32
        %scan3A_64 = arith.constant 392 : i32
        %scan3A_65 = arith.addi %scan3A_63, %scan3A_64 : i32
        %scan3A_66 = arith.constant 1 : i32
        scf.for %scan3A_68 = %scan3A_63 to %scan3A_65 step %scan3A_66  : i32 {
          %mul3A_69 = arith.constant 1 : i32
          %mul3A_70 = arith.muli %scan3A_68, %mul3A_69 : i32
          %add3A_71 = arith.constant 0 : i32
          %add3A_72 = arith.addi %add3A_71, %mul3A_70 : i32
          %get3A = arith.index_cast %add3A_72 : i32 to index
          %get3A_73 = arith.constant 0 : index
          %get3A_74 = tpu.vector_load %arg6[%get3A, %get3A_73] {strides = array<i32>} : memref<392x128xi32, #tpu.memory_space<vmem>>, vector<1x16xi32>,
          %get3A_75 = vector.shape_cast %get3A_74 : vector<1x16xi32> to vector<16xi32>
          %mul3A_76 = arith.constant 4 : i32
          %mul3A_77 = vector.broadcast %mul3A_76 : i32 to vector<16xi32>
          %mul3A_78 = arith.muli %get3A_75, %mul3A_77 : vector<16xi32>
          %add3A_79 = arith.addi %mul3A_78, %broadcast_in_dim3A : vector<16xi32>
          %swap3A = arith.index_cast %add3A_72 : i32 to index
          %swap3A_80 = arith.constant 0 : index
          %swap3A_81 = tpu.vector_load %arg6[%swap3A, %swap3A_80] {strides = array<i32>} : memref<392x128xi32, #tpu.memory_space<vmem>>, vector<1x16xi32>,
          %swap3A_82 = vector.shape_cast %swap3A_81 : vector<1x16xi32> to vector<16xi32>
          %swap3A_83 = vector.shape_cast %add3A_79 : vector<16xi32> to vector<1x16xi32>
          tpu.vector_store %arg6[%swap3A, %swap3A_80], %swap3A_83 {strides = array<i32>} : memref<392x128xi32, #tpu.memory_space<vmem>>, vector<1x16xi32>,
          %get3A_84 = arith.index_cast %add3A_72 : i32 to index
          %get3A_85 = arith.constant 16 : index
          %get3A_86 = tpu.vector_load %arg6[%get3A_84, %get3A_85] {strides = array<i32>} : memref<392x128xi32, #tpu.memory_space<vmem>>, vector<1x16xi32>,
          %get3A_87 = vector.shape_cast %get3A_86 : vector<1x16xi32> to vector<16xi32>
          %mul3A_88 = arith.constant 4 : i32
          %mul3A_89 = vector.broadcast %mul3A_88 : i32 to vector<16xi32>
          %mul3A_90 = arith.muli %get3A_87, %mul3A_89 : vector<16xi32>
          %add3A_91 = arith.addi %mul3A_90, %broadcast_in_dim3A : vector<16xi32>
          %swap3A_92 = arith.index_cast %add3A_72 : i32 to index
          %swap3A_93 = arith.constant 16 : index
          %swap3A_94 = tpu.vector_load %arg6[%swap3A_92, %swap3A_93] {strides = array<i32>} : memref<392x128xi32, #tpu.memory_space<vmem>>, vector<1x16xi32>,
          %swap3A_95 = vector.shape_cast %swap3A_94 : vector<1x16xi32> to vector<16xi32>
          %swap3A_96 = vector.shape_cast %add3A_91 : vector<16xi32> to vector<1x16xi32>
          tpu.vector_store %arg6[%swap3A_92, %swap3A_93], %swap3A_96 {strides = array<i32>} : memref<392x128xi32, #tpu.memory_space<vmem>>, vector<1x16xi32>,
          %get3A_97 = arith.index_cast %add3A_72 : i32 to index
          %get3A_98 = arith.constant 32 : index
          %get3A_99 = tpu.vector_load %arg6[%get3A_97, %get3A_98] {strides = array<i32>} : memref<392x128xi32, #tpu.memory_space<vmem>>, vector<1x16xi32>,
          %get3A_100 = vector.shape_cast %get3A_99 : vector<1x16xi32> to vector<16xi32>
          %mul3A_101 = arith.constant 4 : i32
          %mul3A_102 = vector.broadcast %mul3A_101 : i32 to vector<16xi32>
          %mul3A_103 = arith.muli %get3A_100, %mul3A_102 : vector<16xi32>
          %add3A_104 = arith.addi %mul3A_103, %broadcast_in_dim3A : vector<16xi32>
          %swap3A_105 = arith.index_cast %add3A_72 : i32 to index
          %swap3A_106 = arith.constant 32 : index
          %swap3A_107 = tpu.vector_load %arg6[%swap3A_105, %swap3A_106] {strides = array<i32>} : memref<392x128xi32, #tpu.memory_space<vmem>>, vector<1x16xi32>,
          %swap3A_108 = vector.shape_cast %swap3A_107 : vector<1x16xi32> to vector<16xi32>
          %swap3A_109 = vector.shape_cast %add3A_104 : vector<16xi32> to vector<1x16xi32>
          tpu.vector_store %arg6[%swap3A_105, %swap3A_106], %swap3A_109 {strides = array<i32>} : memref<392x128xi32, #tpu.memory_space<vmem>>, vector<1x16xi32>,
          %get3A_110 = arith.index_cast %add3A_72 : i32 to index
          %get3A_111 = arith.constant 48 : index
          %get3A_112 = tpu.vector_load %arg6[%get3A_110, %get3A_111] {strides = array<i32>} : memref<392x128xi32, #tpu.memory_space<vmem>>, vector<1x16xi32>,
          %get3A_113 = vector.shape_cast %get3A_112 : vector<1x16xi32> to vector<16xi32>
          %mul3A_114 = arith.constant 4 : i32
          %mul3A_115 = vector.broadcast %mul3A_114 : i32 to vector<16xi32>
          %mul3A_116 = arith.muli %get3A_113, %mul3A_115 : vector<16xi32>
          %add3A_117 = arith.addi %mul3A_116, %broadcast_in_dim3A : vector<16xi32>
          %swap3A_118 = arith.index_cast %add3A_72 : i32 to index
          %swap3A_119 = arith.constant 48 : index
          %swap3A_120 = tpu.vector_load %arg6[%swap3A_118, %swap3A_119] {strides = array<i32>} : memref<392x128xi32, #tpu.memory_space<vmem>>, vector<1x16xi32>,
          %swap3A_121 = vector.shape_cast %swap3A_120 : vector<1x16xi32> to vector<16xi32>
          %swap3A_122 = vector.shape_cast %add3A_117 : vector<16xi32> to vector<1x16xi32>
          tpu.vector_store %arg6[%swap3A_118, %swap3A_119], %swap3A_122 {strides = array<i32>} : memref<392x128xi32, #tpu.memory_space<vmem>>, vector<1x16xi32>,
          %get3A_123 = arith.index_cast %add3A_72 : i32 to index
          %get3A_124 = arith.constant 64 : index
          %get3A_125 = tpu.vector_load %arg6[%get3A_123, %get3A_124] {strides = array<i32>} : memref<392x128xi32, #tpu.memory_space<vmem>>, vector<1x16xi32>,
          %get3A_126 = vector.shape_cast %get3A_125 : vector<1x16xi32> to vector<16xi32>
          %mul3A_127 = arith.constant 4 : i32
          %mul3A_128 = vector.broadcast %mul3A_127 : i32 to vector<16xi32>
          %mul3A_129 = arith.muli %get3A_126, %mul3A_128 : vector<16xi32>
          %add3A_130 = arith.addi %mul3A_129, %broadcast_in_dim3A : vector<16xi32>
          %swap3A_131 = arith.index_cast %add3A_72 : i32 to index
          %swap3A_132 = arith.constant 64 : index
          %swap3A_133 = tpu.vector_load %arg6[%swap3A_131, %swap3A_132] {strides = array<i32>} : memref<392x128xi32, #tpu.memory_space<vmem>>, vector<1x16xi32>,
          %swap3A_134 = vector.shape_cast %swap3A_133 : vector<1x16xi32> to vector<16xi32>
          %swap3A_135 = vector.shape_cast %add3A_130 : vector<16xi32> to vector<1x16xi32>
          tpu.vector_store %arg6[%swap3A_131, %swap3A_132], %swap3A_135 {strides = array<i32>} : memref<392x128xi32, #tpu.memory_space<vmem>>, vector<1x16xi32>,
          %get3A_136 = arith.index_cast %add3A_72 : i32 to index
          %get3A_137 = arith.constant 80 : index
          %get3A_138 = tpu.vector_load %arg6[%get3A_136, %get3A_137] {strides = array<i32>} : memref<392x128xi32, #tpu.memory_space<vmem>>, vector<1x16xi32>,
          %get3A_139 = vector.shape_cast %get3A_138 : vector<1x16xi32> to vector<16xi32>
          %mul3A_140 = arith.constant 4 : i32
          %mul3A_141 = vector.broadcast %mul3A_140 : i32 to vector<16xi32>
          %mul3A_142 = arith.muli %get3A_139, %mul3A_141 : vector<16xi32>
          %add3A_143 = arith.addi %mul3A_142, %broadcast_in_dim3A : vector<16xi32>
          %swap3A_144 = arith.index_cast %add3A_72 : i32 to index
          %swap3A_145 = arith.constant 80 : index
          %swap3A_146 = tpu.vector_load %arg6[%swap3A_144, %swap3A_145] {strides = array<i32>} : memref<392x128xi32, #tpu.memory_space<vmem>>, vector<1x16xi32>,
          %swap3A_147 = vector.shape_cast %swap3A_146 : vector<1x16xi32> to vector<16xi32>
          %swap3A_148 = vector.shape_cast %add3A_143 : vector<16xi32> to vector<1x16xi32>
          tpu.vector_store %arg6[%swap3A_144, %swap3A_145], %swap3A_148 {strides = array<i32>} : memref<392x128xi32, #tpu.memory_space<vmem>>, vector<1x16xi32>,
          %get3A_149 = arith.index_cast %add3A_72 : i32 to index
          %get3A_150 = arith.constant 96 : index
          %get3A_151 = tpu.vector_load %arg6[%get3A_149, %get3A_150] {strides = array<i32>} : memref<392x128xi32, #tpu.memory_space<vmem>>, vector<1x16xi32>,
          %get3A_152 = vector.shape_cast %get3A_151 : vector<1x16xi32> to vector<16xi32>
          %mul3A_153 = arith.constant 4 : i32
          %mul3A_154 = vector.broadcast %mul3A_153 : i32 to vector<16xi32>
          %mul3A_155 = arith.muli %get3A_152, %mul3A_154 : vector<16xi32>
          %add3A_156 = arith.addi %mul3A_155, %broadcast_in_dim3A : vector<16xi32>
          %swap3A_157 = arith.index_cast %add3A_72 : i32 to index
          %swap3A_158 = arith.constant 96 : index
          %swap3A_159 = tpu.vector_load %arg6[%swap3A_157, %swap3A_158] {strides = array<i32>} : memref<392x128xi32, #tpu.memory_space<vmem>>, vector<1x16xi32>,
          %swap3A_160 = vector.shape_cast %swap3A_159 : vector<1x16xi32> to vector<16xi32>
          %swap3A_161 = vector.shape_cast %add3A_156 : vector<16xi32> to vector<1x16xi32>
          tpu.vector_store %arg6[%swap3A_157, %swap3A_158], %swap3A_161 {strides = array<i32>} : memref<392x128xi32, #tpu.memory_space<vmem>>, vector<1x16xi32>,
          %get3A_162 = arith.index_cast %add3A_72 : i32 to index
          %get3A_163 = arith.constant 112 : index
          %get3A_164 = tpu.vector_load %arg6[%get3A_162, %get3A_163] {strides = array<i32>} : memref<392x128xi32, #tpu.memory_space<vmem>>, vector<1x16xi32>,
          %get3A_165 = vector.shape_cast %get3A_164 : vector<1x16xi32> to vector<16xi32>
          %mul3A_166 = arith.constant 4 : i32
          %mul3A_167 = vector.broadcast %mul3A_166 : i32 to vector<16xi32>
          %mul3A_168 = arith.muli %get3A_165, %mul3A_167 : vector<16xi32>
          %add3A_169 = arith.addi %mul3A_168, %broadcast_in_dim3A : vector<16xi32>
          %swap3A_170 = arith.index_cast %add3A_72 : i32 to index
          %swap3A_171 = arith.constant 112 : index
          %swap3A_172 = tpu.vector_load %arg6[%swap3A_170, %swap3A_171] {strides = array<i32>} : memref<392x128xi32, #tpu.memory_space<vmem>>, vector<1x16xi32>,
          %swap3A_173 = vector.shape_cast %swap3A_172 : vector<1x16xi32> to vector<16xi32>
          %swap3A_174 = vector.shape_cast %add3A_169 : vector<16xi32> to vector<1x16xi32>
          tpu.vector_store %arg6[%swap3A_170, %swap3A_171], %swap3A_174 {strides = array<i32>} : memref<392x128xi32, #tpu.memory_space<vmem>>, vector<1x16xi32>,
        }
        %scan3A_67 = arith.constant 392 : i32
      } else {
      }
      %ne3A = arith.constant 0 : i32
      %ne3A_12 = arith.cmpi ne, %add3A_9, %ne3A : i32
      %convert_element_type3A_13 = arith.extui %ne3A_12 : i1 to i32
      %cond3A_14 = arith.constant 0 : i32
      %cond3A_15 = arith.cmpi ne, %convert_element_type3A_13, %cond3A_14 : i32
      scf.if %cond3A_15 {
        %broadcast_in_dim3A = arith.constant 1 : i32
        %broadcast_in_dim3A_61 = vector.broadcast %broadcast_in_dim3A : i32 to vector<16xi32>
        %scan3A_62 = arith.constant 0 : i32
        %scan3A_63 = arith.constant 392 : i32
        %scan3A_64 = arith.addi %scan3A_62, %scan3A_63 : i32
        %scan3A_65 = arith.constant 1 : i32
        scf.for %scan3A_67 = %scan3A_62 to %scan3A_64 step %scan3A_65  : i32 {
          %mul3A_68 = arith.constant 1 : i32
          %mul3A_69 = arith.muli %scan3A_67, %mul3A_68 : i32
          %add3A_70 = arith.constant 0 : i32
          %add3A_71 = arith.addi %add3A_70, %mul3A_69 : i32
          %get3A = arith.index_cast %add3A_71 : i32 to index
          %get3A_72 = arith.constant 0 : index
          %get3A_73 = tpu.vector_load %arg6[%get3A, %get3A_72] {strides = array<i32>} : memref<392x128xi32, #tpu.memory_space<vmem>>, vector<1x16xi32>,
          %get3A_74 = vector.shape_cast %get3A_73 : vector<1x16xi32> to vector<16xi32>
          %add3A_75 = arith.addi %get3A_74, %broadcast_in_dim3A_61 : vector<16xi32>
          %swap3A = arith.index_cast %add3A_71 : i32 to index
          %swap3A_76 = arith.constant 0 : index
          %swap3A_77 = tpu.vector_load %arg6[%swap3A, %swap3A_76] {strides = array<i32>} : memref<392x128xi32, #tpu.memory_space<vmem>>, vector<1x16xi32>,
          %swap3A_78 = vector.shape_cast %swap3A_77 : vector<1x16xi32> to vector<16xi32>
          %swap3A_79 = vector.shape_cast %add3A_75 : vector<16xi32> to vector<1x16xi32>
          tpu.vector_store %arg6[%swap3A, %swap3A_76], %swap3A_79 {strides = array<i32>} : memref<392x128xi32, #tpu.memory_space<vmem>>, vector<1x16xi32>,
          %get3A_80 = arith.index_cast %add3A_71 : i32 to index
          %get3A_81 = arith.constant 16 : index
          %get3A_82 = tpu.vector_load %arg6[%get3A_80, %get3A_81] {strides = array<i32>} : memref<392x128xi32, #tpu.memory_space<vmem>>, vector<1x16xi32>,
          %get3A_83 = vector.shape_cast %get3A_82 : vector<1x16xi32> to vector<16xi32>
          %add3A_84 = arith.addi %get3A_83, %broadcast_in_dim3A_61 : vector<16xi32>
          %swap3A_85 = arith.index_cast %add3A_71 : i32 to index
          %swap3A_86 = arith.constant 16 : index
          %swap3A_87 = tpu.vector_load %arg6[%swap3A_85, %swap3A_86] {strides = array<i32>} : memref<392x128xi32, #tpu.memory_space<vmem>>, vector<1x16xi32>,
          %swap3A_88 = vector.shape_cast %swap3A_87 : vector<1x16xi32> to vector<16xi32>
          %swap3A_89 = vector.shape_cast %add3A_84 : vector<16xi32> to vector<1x16xi32>
          tpu.vector_store %arg6[%swap3A_85, %swap3A_86], %swap3A_89 {strides = array<i32>} : memref<392x128xi32, #tpu.memory_space<vmem>>, vector<1x16xi32>,
          %get3A_90 = arith.index_cast %add3A_71 : i32 to index
          %get3A_91 = arith.constant 32 : index
          %get3A_92 = tpu.vector_load %arg6[%get3A_90, %get3A_91] {strides = array<i32>} : memref<392x128xi32, #tpu.memory_space<vmem>>, vector<1x16xi32>,
          %get3A_93 = vector.shape_cast %get3A_92 : vector<1x16xi32> to vector<16xi32>
          %add3A_94 = arith.addi %get3A_93, %broadcast_in_dim3A_61 : vector<16xi32>
          %swap3A_95 = arith.index_cast %add3A_71 : i32 to index
          %swap3A_96 = arith.constant 32 : index
          %swap3A_97 = tpu.vector_load %arg6[%swap3A_95, %swap3A_96] {strides = array<i32>} : memref<392x128xi32, #tpu.memory_space<vmem>>, vector<1x16xi32>,
          %swap3A_98 = vector.shape_cast %swap3A_97 : vector<1x16xi32> to vector<16xi32>
          %swap3A_99 = vector.shape_cast %add3A_94 : vector<16xi32> to vector<1x16xi32>
          tpu.vector_store %arg6[%swap3A_95, %swap3A_96], %swap3A_99 {strides = array<i32>} : memref<392x128xi32, #tpu.memory_space<vmem>>, vector<1x16xi32>,
          %get3A_100 = arith.index_cast %add3A_71 : i32 to index
          %get3A_101 = arith.constant 48 : index
          %get3A_102 = tpu.vector_load %arg6[%get3A_100, %get3A_101] {strides = array<i32>} : memref<392x128xi32, #tpu.memory_space<vmem>>, vector<1x16xi32>,
          %get3A_103 = vector.shape_cast %get3A_102 : vector<1x16xi32> to vector<16xi32>
          %add3A_104 = arith.addi %get3A_103, %broadcast_in_dim3A_61 : vector<16xi32>
          %swap3A_105 = arith.index_cast %add3A_71 : i32 to index
          %swap3A_106 = arith.constant 48 : index
          %swap3A_107 = tpu.vector_load %arg6[%swap3A_105, %swap3A_106] {strides = array<i32>} : memref<392x128xi32, #tpu.memory_space<vmem>>, vector<1x16xi32>,
          %swap3A_108 = vector.shape_cast %swap3A_107 : vector<1x16xi32> to vector<16xi32>
          %swap3A_109 = vector.shape_cast %add3A_104 : vector<16xi32> to vector<1x16xi32>
          tpu.vector_store %arg6[%swap3A_105, %swap3A_106], %swap3A_109 {strides = array<i32>} : memref<392x128xi32, #tpu.memory_space<vmem>>, vector<1x16xi32>,
          %get3A_110 = arith.index_cast %add3A_71 : i32 to index
          %get3A_111 = arith.constant 64 : index
          %get3A_112 = tpu.vector_load %arg6[%get3A_110, %get3A_111] {strides = array<i32>} : memref<392x128xi32, #tpu.memory_space<vmem>>, vector<1x16xi32>,
          %get3A_113 = vector.shape_cast %get3A_112 : vector<1x16xi32> to vector<16xi32>
          %add3A_114 = arith.addi %get3A_113, %broadcast_in_dim3A_61 : vector<16xi32>
          %swap3A_115 = arith.index_cast %add3A_71 : i32 to index
          %swap3A_116 = arith.constant 64 : index
          %swap3A_117 = tpu.vector_load %arg6[%swap3A_115, %swap3A_116] {strides = array<i32>} : memref<392x128xi32, #tpu.memory_space<vmem>>, vector<1x16xi32>,
          %swap3A_118 = vector.shape_cast %swap3A_117 : vector<1x16xi32> to vector<16xi32>
          %swap3A_119 = vector.shape_cast %add3A_114 : vector<16xi32> to vector<1x16xi32>
          tpu.vector_store %arg6[%swap3A_115, %swap3A_116], %swap3A_119 {strides = array<i32>} : memref<392x128xi32, #tpu.memory_space<vmem>>, vector<1x16xi32>,
          %get3A_120 = arith.index_cast %add3A_71 : i32 to index
          %get3A_121 = arith.constant 80 : index
          %get3A_122 = tpu.vector_load %arg6[%get3A_120, %get3A_121] {strides = array<i32>} : memref<392x128xi32, #tpu.memory_space<vmem>>, vector<1x16xi32>,
          %get3A_123 = vector.shape_cast %get3A_122 : vector<1x16xi32> to vector<16xi32>
          %add3A_124 = arith.addi %get3A_123, %broadcast_in_dim3A_61 : vector<16xi32>
          %swap3A_125 = arith.index_cast %add3A_71 : i32 to index
          %swap3A_126 = arith.constant 80 : index
          %swap3A_127 = tpu.vector_load %arg6[%swap3A_125, %swap3A_126] {strides = array<i32>} : memref<392x128xi32, #tpu.memory_space<vmem>>, vector<1x16xi32>,
          %swap3A_128 = vector.shape_cast %swap3A_127 : vector<1x16xi32> to vector<16xi32>
          %swap3A_129 = vector.shape_cast %add3A_124 : vector<16xi32> to vector<1x16xi32>
          tpu.vector_store %arg6[%swap3A_125, %swap3A_126], %swap3A_129 {strides = array<i32>} : memref<392x128xi32, #tpu.memory_space<vmem>>, vector<1x16xi32>,
          %get3A_130 = arith.index_cast %add3A_71 : i32 to index
          %get3A_131 = arith.constant 96 : index
          %get3A_132 = tpu.vector_load %arg6[%get3A_130, %get3A_131] {strides = array<i32>} : memref<392x128xi32, #tpu.memory_space<vmem>>, vector<1x16xi32>,
          %get3A_133 = vector.shape_cast %get3A_132 : vector<1x16xi32> to vector<16xi32>
          %add3A_134 = arith.addi %get3A_133, %broadcast_in_dim3A_61 : vector<16xi32>
          %swap3A_135 = arith.index_cast %add3A_71 : i32 to index
          %swap3A_136 = arith.constant 96 : index
          %swap3A_137 = tpu.vector_load %arg6[%swap3A_135, %swap3A_136] {strides = array<i32>} : memref<392x128xi32, #tpu.memory_space<vmem>>, vector<1x16xi32>,
          %swap3A_138 = vector.shape_cast %swap3A_137 : vector<1x16xi32> to vector<16xi32>
          %swap3A_139 = vector.shape_cast %add3A_134 : vector<16xi32> to vector<1x16xi32>
          tpu.vector_store %arg6[%swap3A_135, %swap3A_136], %swap3A_139 {strides = array<i32>} : memref<392x128xi32, #tpu.memory_space<vmem>>, vector<1x16xi32>,
          %get3A_140 = arith.index_cast %add3A_71 : i32 to index
          %get3A_141 = arith.constant 112 : index
          %get3A_142 = tpu.vector_load %arg6[%get3A_140, %get3A_141] {strides = array<i32>} : memref<392x128xi32, #tpu.memory_space<vmem>>, vector<1x16xi32>,
          %get3A_143 = vector.shape_cast %get3A_142 : vector<1x16xi32> to vector<16xi32>
          %add3A_144 = arith.addi %get3A_143, %broadcast_in_dim3A_61 : vector<16xi32>
          %swap3A_145 = arith.index_cast %add3A_71 : i32 to index
          %swap3A_146 = arith.constant 112 : index
          %swap3A_147 = tpu.vector_load %arg6[%swap3A_145, %swap3A_146] {strides = array<i32>} : memref<392x128xi32, #tpu.memory_space<vmem>>, vector<1x16xi32>,
          %swap3A_148 = vector.shape_cast %swap3A_147 : vector<1x16xi32> to vector<16xi32>
          %swap3A_149 = vector.shape_cast %add3A_144 : vector<16xi32> to vector<1x16xi32>
          tpu.vector_store %arg6[%swap3A_145, %swap3A_146], %swap3A_149 {strides = array<i32>} : memref<392x128xi32, #tpu.memory_space<vmem>>, vector<1x16xi32>,
        }
        %scan3A_66 = arith.constant 392 : i32
      } else {
      }
      %barrier3A = arith.constant 0 : index
      tpu.barrier barrier_id(%barrier3A)
      %dma_start3A = arith.constant 0 : i32
      %dma_start3A_16 = arith.constant 0 : i32
      %dma_start3A_17 = arith.constant 0 : i32
      %dma_start3A_18 = arith.constant 0 : i32
      %dma_start3A_19 = tpu.memref_slice %arg8[%dma_start3A_16, %dma_start3A_17, %dma_start3A_18] : memref<2x128x16xbf16, #tpu.memory_space<vmem>> -> memref<1x128x16xbf16, #tpu.memory_space<vmem>>
      %dma_start3A_20 = tpu.memref_squeeze %dma_start3A_19 : memref<1x128x16xbf16, #tpu.memory_space<vmem>> -> memref<128x16xbf16, #tpu.memory_space<vmem>>
      %dma_start3A_21 = arith.constant 0 : i32
      %dma_start3A_22 = tpu.memref_slice %arg6[%dma_start3A, %dma_start3A_21] : memref<392x128xi32, #tpu.memory_space<vmem>> -> memref<1x128xi32, #tpu.memory_space<vmem>>
      %dma_start3A_23 = tpu.memref_squeeze %dma_start3A_22 : memref<1x128xi32, #tpu.memory_space<vmem>> -> memref<128xi32, #tpu.memory_space<vmem>>
      %dma_start3A_24 = arith.constant 0 : i32
      %dma_start3A_25 = arith.constant 0 : i32
      %dma_start3A_26 = tpu.memref_slice %arg2[%dma_start3A_24, %dma_start3A_25] : memref<200000x16xbf16, #tpu.memory_space<hbm>> -> memref<200000x16xbf16, #tpu.memory_space<hbm>>
      tpu.enqueue_indirect_dma source(%dma_start3A_26 : memref<200000x16xbf16, #tpu.memory_space<hbm>>) target(%dma_start3A_20 : memref<128x16xbf16, #tpu.memory_space<vmem>>) offsets(%dma_start3A_23 : memref<128xi32, #tpu.memory_space<vmem>>) semaphore(%arg11 : memref<!tpu.dma_semaphore, #tpu.memory_space<semaphore_mem>>)
      %dma_start3A_27 = arith.constant 1 : i32
      %dma_start3A_28 = arith.constant 1 : i32
      %dma_start3A_29 = arith.constant 0 : i32
      %dma_start3A_30 = arith.constant 0 : i32
      %dma_start3A_31 = tpu.memref_slice %arg8[%dma_start3A_28, %dma_start3A_29, %dma_start3A_30] : memref<2x128x16xbf16, #tpu.memory_space<vmem>> -> memref<1x128x16xbf16, #tpu.memory_space<vmem>>
      %dma_start3A_32 = tpu.memref_squeeze %dma_start3A_31 : memref<1x128x16xbf16, #tpu.memory_space<vmem>> -> memref<128x16xbf16, #tpu.memory_space<vmem>>
      %dma_start3A_33 = arith.constant 0 : i32
      %dma_start3A_34 = tpu.memref_slice %arg6[%dma_start3A_27, %dma_start3A_33] : memref<392x128xi32, #tpu.memory_space<vmem>> -> memref<1x128xi32, #tpu.memory_space<vmem>>
      %dma_start3A_35 = tpu.memref_squeeze %dma_start3A_34 : memref<1x128xi32, #tpu.memory_space<vmem>> -> memref<128xi32, #tpu.memory_space<vmem>>
      %dma_start3A_36 = arith.constant 0 : i32
      %dma_start3A_37 = arith.constant 0 : i32
      %dma_start3A_38 = tpu.memref_slice %arg2[%dma_start3A_36, %dma_start3A_37] : memref<200000x16xbf16, #tpu.memory_space<hbm>> -> memref<200000x16xbf16, #tpu.memory_space<hbm>>
      tpu.enqueue_indirect_dma source(%dma_start3A_38 : memref<200000x16xbf16, #tpu.memory_space<hbm>>) target(%dma_start3A_32 : memref<128x16xbf16, #tpu.memory_space<vmem>>) offsets(%dma_start3A_35 : memref<128xi32, #tpu.memory_space<vmem>>) semaphore(%arg11 : memref<!tpu.dma_semaphore, #tpu.memory_space<semaphore_mem>>)
      %scan3A_39 = arith.constant 0 : i32
      %scan3A_40 = arith.constant 98 : i32
      %scan3A_41 = arith.addi %scan3A_39, %scan3A_40 : i32
      %scan3A_42 = arith.constant 1 : i32
      scf.for %scan3A_61 = %scan3A_39 to %scan3A_41 step %scan3A_42  : i32 {
        %mul3A_62 = arith.constant 1 : i32
        %mul3A_63 = arith.muli %scan3A_61, %mul3A_62 : i32
        %add3A_64 = arith.constant 0 : i32
        %add3A_65 = arith.addi %add3A_64, %mul3A_63 : i32
        %mul3A_66 = arith.constant 2 : i32
        %mul3A_67 = arith.muli %mul3A_66, %add3A_65 : i32
        %mul3A_68 = arith.constant 2 : i32
        %mul3A_69 = arith.muli %mul3A_68, %add3A_65 : i32
        %add3A_70 = arith.constant 1 : i32
        %add3A_71 = arith.addi %mul3A_69, %add3A_70 : i32
        %mul3A_72 = arith.constant 2 : i32
        %mul3A_73 = arith.muli %add3A_71, %mul3A_72 : i32
        %add3A_74 = arith.constant 0 : i32
        %add3A_75 = arith.addi %mul3A_73, %add3A_74 : i32
        %dma_start3A_76 = arith.constant 0 : i32
        %dma_start3A_77 = arith.constant 0 : i32
        %dma_start3A_78 = arith.constant 0 : i32
        %dma_start3A_79 = tpu.memref_slice %arg9[%dma_start3A_76, %dma_start3A_77, %dma_start3A_78] : memref<2x128x16xbf16, #tpu.memory_space<vmem>> -> memref<1x128x16xbf16, #tpu.memory_space<vmem>>
        %dma_start3A_80 = tpu.memref_squeeze %dma_start3A_79 : memref<1x128x16xbf16, #tpu.memory_space<vmem>> -> memref<128x16xbf16, #tpu.memory_space<vmem>>
        %dma_start3A_81 = arith.constant 0 : i32
        %dma_start3A_82 = tpu.memref_slice %arg6[%add3A_75, %dma_start3A_81] : memref<392x128xi32, #tpu.memory_space<vmem>> -> memref<1x128xi32, #tpu.memory_space<vmem>>
        %dma_start3A_83 = tpu.memref_squeeze %dma_start3A_82 : memref<1x128xi32, #tpu.memory_space<vmem>> -> memref<128xi32, #tpu.memory_space<vmem>>
        %dma_start3A_84 = arith.constant 0 : i32
        %dma_start3A_85 = arith.constant 0 : i32
        %dma_start3A_86 = tpu.memref_slice %arg2[%dma_start3A_84, %dma_start3A_85] : memref<200000x16xbf16, #tpu.memory_space<hbm>> -> memref<200000x16xbf16, #tpu.memory_space<hbm>>
        tpu.enqueue_indirect_dma source(%dma_start3A_86 : memref<200000x16xbf16, #tpu.memory_space<hbm>>) target(%dma_start3A_80 : memref<128x16xbf16, #tpu.memory_space<vmem>>) offsets(%dma_start3A_83 : memref<128xi32, #tpu.memory_space<vmem>>) semaphore(%arg12 : memref<!tpu.dma_semaphore, #tpu.memory_space<semaphore_mem>>)
        %mul3A_87 = arith.constant 2 : i32
        %mul3A_88 = arith.muli %add3A_71, %mul3A_87 : i32
        %add3A_89 = arith.constant 1 : i32
        %add3A_90 = arith.addi %mul3A_88, %add3A_89 : i32
        %dma_start3A_91 = arith.constant 1 : i32
        %dma_start3A_92 = arith.constant 0 : i32
        %dma_start3A_93 = arith.constant 0 : i32
        %dma_start3A_94 = tpu.memref_slice %arg9[%dma_start3A_91, %dma_start3A_92, %dma_start3A_93] : memref<2x128x16xbf16, #tpu.memory_space<vmem>> -> memref<1x128x16xbf16, #tpu.memory_space<vmem>>
        %dma_start3A_95 = tpu.memref_squeeze %dma_start3A_94 : memref<1x128x16xbf16, #tpu.memory_space<vmem>> -> memref<128x16xbf16, #tpu.memory_space<vmem>>
        %dma_start3A_96 = arith.constant 0 : i32
        %dma_start3A_97 = tpu.memref_slice %arg6[%add3A_90, %dma_start3A_96] : memref<392x128xi32, #tpu.memory_space<vmem>> -> memref<1x128xi32, #tpu.memory_space<vmem>>
        %dma_start3A_98 = tpu.memref_squeeze %dma_start3A_97 : memref<1x128xi32, #tpu.memory_space<vmem>> -> memref<128xi32, #tpu.memory_space<vmem>>
        %dma_start3A_99 = arith.constant 0 : i32
        %dma_start3A_100 = arith.constant 0 : i32
        %dma_start3A_101 = tpu.memref_slice %arg2[%dma_start3A_99, %dma_start3A_100] : memref<200000x16xbf16, #tpu.memory_space<hbm>> -> memref<200000x16xbf16, #tpu.memory_space<hbm>>
        tpu.enqueue_indirect_dma source(%dma_start3A_101 : memref<200000x16xbf16, #tpu.memory_space<hbm>>) target(%dma_start3A_95 : memref<128x16xbf16, #tpu.memory_space<vmem>>) offsets(%dma_start3A_98 : memref<128xi32, #tpu.memory_space<vmem>>) semaphore(%arg12 : memref<!tpu.dma_semaphore, #tpu.memory_space<semaphore_mem>>)
        %dma_wait3A = arith.constant 0 : i32
        %dma_wait3A_102 = arith.constant 0 : i32
        %dma_wait3A_103 = arith.constant 0 : i32
        %dma_wait3A_104 = arith.constant 0 : i32
        %dma_wait3A_105 = tpu.memref_slice %arg8[%dma_wait3A_102, %dma_wait3A_103, %dma_wait3A_104] : memref<2x128x16xbf16, #tpu.memory_space<vmem>> -> memref<1x128x16xbf16, #tpu.memory_space<vmem>>
        %dma_wait3A_106 = tpu.memref_squeeze %dma_wait3A_105 : memref<1x128x16xbf16, #tpu.memory_space<vmem>> -> memref<128x16xbf16, #tpu.memory_space<vmem>>
        %dma_wait3A_107 = arith.constant 0 : i32
        %dma_wait3A_108 = tpu.memref_slice %arg6[%dma_wait3A, %dma_wait3A_107] : memref<392x128xi32, #tpu.memory_space<vmem>> -> memref<1x128xi32, #tpu.memory_space<vmem>>
        %dma_wait3A_109 = tpu.memref_squeeze %dma_wait3A_108 : memref<1x128xi32, #tpu.memory_space<vmem>> -> memref<128xi32, #tpu.memory_space<vmem>>
        %dma_wait3A_110 = arith.constant 0 : i32
        %dma_wait3A_111 = arith.constant 0 : i32
        %dma_wait3A_112 = tpu.memref_slice %arg2[%dma_wait3A_110, %dma_wait3A_111] : memref<200000x16xbf16, #tpu.memory_space<hbm>> -> memref<200000x16xbf16, #tpu.memory_space<hbm>>
        tpu.wait_indirect_dma semaphore(%arg11 : memref<!tpu.dma_semaphore, #tpu.memory_space<semaphore_mem>>) src(%dma_wait3A_112 : memref<200000x16xbf16, #tpu.memory_space<hbm>>) dst(%dma_wait3A_106 : memref<128x16xbf16, #tpu.memory_space<vmem>>)
        %dma_wait3A_113 = arith.constant 0 : i32
        %dma_wait3A_114 = arith.constant 1 : i32
        %dma_wait3A_115 = arith.constant 0 : i32
        %dma_wait3A_116 = arith.constant 0 : i32
        %dma_wait3A_117 = tpu.memref_slice %arg8[%dma_wait3A_114, %dma_wait3A_115, %dma_wait3A_116] : memref<2x128x16xbf16, #tpu.memory_space<vmem>> -> memref<1x128x16xbf16, #tpu.memory_space<vmem>>
        %dma_wait3A_118 = tpu.memref_squeeze %dma_wait3A_117 : memref<1x128x16xbf16, #tpu.memory_space<vmem>> -> memref<128x16xbf16, #tpu.memory_space<vmem>>
        %dma_wait3A_119 = arith.constant 0 : i32
        %dma_wait3A_120 = tpu.memref_slice %arg6[%dma_wait3A_113, %dma_wait3A_119] : memref<392x128xi32, #tpu.memory_space<vmem>> -> memref<1x128xi32, #tpu.memory_space<vmem>>
        %dma_wait3A_121 = tpu.memref_squeeze %dma_wait3A_120 : memref<1x128xi32, #tpu.memory_space<vmem>> -> memref<128xi32, #tpu.memory_space<vmem>>
        %dma_wait3A_122 = arith.constant 0 : i32
        %dma_wait3A_123 = arith.constant 0 : i32
        %dma_wait3A_124 = tpu.memref_slice %arg2[%dma_wait3A_122, %dma_wait3A_123] : memref<200000x16xbf16, #tpu.memory_space<hbm>> -> memref<200000x16xbf16, #tpu.memory_space<hbm>>
        tpu.wait_indirect_dma semaphore(%arg11 : memref<!tpu.dma_semaphore, #tpu.memory_space<semaphore_mem>>) src(%dma_wait3A_124 : memref<200000x16xbf16, #tpu.memory_space<hbm>>) dst(%dma_wait3A_118 : memref<128x16xbf16, #tpu.memory_space<vmem>>)
        %mul3A_125 = arith.constant 2 : i32
        %mul3A_126 = arith.muli %mul3A_67, %mul3A_125 : i32
        %add3A_127 = arith.constant 0 : i32
        %add3A_128 = arith.addi %mul3A_126, %add3A_127 : i32
        %dma_start3A_129 = arith.constant 0 : i32
        %dma_start3A_130 = arith.constant 0 : i32
        %dma_start3A_131 = arith.constant 0 : i32
        %dma_start3A_132 = tpu.memref_slice %arg8[%dma_start3A_129, %dma_start3A_130, %dma_start3A_131] : memref<2x128x16xbf16, #tpu.memory_space<vmem>> -> memref<1x128x16xbf16, #tpu.memory_space<vmem>>
        %dma_start3A_133 = tpu.memref_squeeze %dma_start3A_132 : memref<1x128x16xbf16, #tpu.memory_space<vmem>> -> memref<128x16xbf16, #tpu.memory_space<vmem>>
        %dma_start3A_134 = arith.constant 0 : i32
        %dma_start3A_135 = tpu.memref_slice %arg7[%add3A_128, %dma_start3A_134] : memref<392x128xi32, #tpu.memory_space<vmem>> -> memref<1x128xi32, #tpu.memory_space<vmem>>
        %dma_start3A_136 = tpu.memref_squeeze %dma_start3A_135 : memref<1x128xi32, #tpu.memory_space<vmem>> -> memref<128xi32, #tpu.memory_space<vmem>>
        %dma_start3A_137 = arith.constant 0 : i32
        %dma_start3A_138 = arith.constant 0 : i32
        %dma_start3A_139 = tpu.memref_slice %arg10[%dma_start3A_137, %dma_start3A_138] : memref<50048x16xbf16, #tpu.memory_space<vmem_shared>> -> memref<50048x16xbf16, #tpu.memory_space<vmem_shared>>
        tpu.enqueue_indirect_dma source(%dma_start3A_133 : memref<128x16xbf16, #tpu.memory_space<vmem>>) target(%dma_start3A_139 : memref<50048x16xbf16, #tpu.memory_space<vmem_shared>>) offsets(%dma_start3A_136 : memref<128xi32, #tpu.memory_space<vmem>>) semaphore(%arg13 : memref<!tpu.dma_semaphore, #tpu.memory_space<semaphore_mem>>) {add = true}
        %mul3A_140 = arith.constant 2 : i32
        %mul3A_141 = arith.muli %mul3A_67, %mul3A_140 : i32
        %add3A_142 = arith.constant 1 : i32
        %add3A_143 = arith.addi %mul3A_141, %add3A_142 : i32
        %dma_start3A_144 = arith.constant 1 : i32
        %dma_start3A_145 = arith.constant 0 : i32
        %dma_start3A_146 = arith.constant 0 : i32
        %dma_start3A_147 = tpu.memref_slice %arg8[%dma_start3A_144, %dma_start3A_145, %dma_start3A_146] : memref<2x128x16xbf16, #tpu.memory_space<vmem>> -> memref<1x128x16xbf16, #tpu.memory_space<vmem>>
        %dma_start3A_148 = tpu.memref_squeeze %dma_start3A_147 : memref<1x128x16xbf16, #tpu.memory_space<vmem>> -> memref<128x16xbf16, #tpu.memory_space<vmem>>
        %dma_start3A_149 = arith.constant 0 : i32
        %dma_start3A_150 = tpu.memref_slice %arg7[%add3A_143, %dma_start3A_149] : memref<392x128xi32, #tpu.memory_space<vmem>> -> memref<1x128xi32, #tpu.memory_space<vmem>>
        %dma_start3A_151 = tpu.memref_squeeze %dma_start3A_150 : memref<1x128xi32, #tpu.memory_space<vmem>> -> memref<128xi32, #tpu.memory_space<vmem>>
        %dma_start3A_152 = arith.constant 0 : i32
        %dma_start3A_153 = arith.constant 0 : i32
        %dma_start3A_154 = tpu.memref_slice %arg10[%dma_start3A_152, %dma_start3A_153] : memref<50048x16xbf16, #tpu.memory_space<vmem_shared>> -> memref<50048x16xbf16, #tpu.memory_space<vmem_shared>>
        tpu.enqueue_indirect_dma source(%dma_start3A_148 : memref<128x16xbf16, #tpu.memory_space<vmem>>) target(%dma_start3A_154 : memref<50048x16xbf16, #tpu.memory_space<vmem_shared>>) offsets(%dma_start3A_151 : memref<128xi32, #tpu.memory_space<vmem>>) semaphore(%arg13 : memref<!tpu.dma_semaphore, #tpu.memory_space<semaphore_mem>>) {add = true}
        %dma_wait3A_155 = arith.constant 0 : i32
        %dma_wait3A_156 = arith.constant 0 : i32
        %dma_wait3A_157 = arith.constant 0 : i32
        %dma_wait3A_158 = arith.constant 0 : i32
        %dma_wait3A_159 = tpu.memref_slice %arg9[%dma_wait3A_156, %dma_wait3A_157, %dma_wait3A_158] : memref<2x128x16xbf16, #tpu.memory_space<vmem>> -> memref<1x128x16xbf16, #tpu.memory_space<vmem>>
        %dma_wait3A_160 = tpu.memref_squeeze %dma_wait3A_159 : memref<1x128x16xbf16, #tpu.memory_space<vmem>> -> memref<128x16xbf16, #tpu.memory_space<vmem>>
        %dma_wait3A_161 = arith.constant 0 : i32
        %dma_wait3A_162 = tpu.memref_slice %arg6[%dma_wait3A_155, %dma_wait3A_161] : memref<392x128xi32, #tpu.memory_space<vmem>> -> memref<1x128xi32, #tpu.memory_space<vmem>>
        %dma_wait3A_163 = tpu.memref_squeeze %dma_wait3A_162 : memref<1x128xi32, #tpu.memory_space<vmem>> -> memref<128xi32, #tpu.memory_space<vmem>>
        %dma_wait3A_164 = arith.constant 0 : i32
        %dma_wait3A_165 = arith.constant 0 : i32
        %dma_wait3A_166 = tpu.memref_slice %arg2[%dma_wait3A_164, %dma_wait3A_165] : memref<200000x16xbf16, #tpu.memory_space<hbm>> -> memref<200000x16xbf16, #tpu.memory_space<hbm>>
        tpu.wait_indirect_dma semaphore(%arg12 : memref<!tpu.dma_semaphore, #tpu.memory_space<semaphore_mem>>) src(%dma_wait3A_166 : memref<200000x16xbf16, #tpu.memory_space<hbm>>) dst(%dma_wait3A_160 : memref<128x16xbf16, #tpu.memory_space<vmem>>)
        %dma_wait3A_167 = arith.constant 0 : i32
        %dma_wait3A_168 = arith.constant 1 : i32
        %dma_wait3A_169 = arith.constant 0 : i32
        %dma_wait3A_170 = arith.constant 0 : i32
        %dma_wait3A_171 = tpu.memref_slice %arg9[%dma_wait3A_168, %dma_wait3A_169, %dma_wait3A_170] : memref<2x128x16xbf16, #tpu.memory_space<vmem>> -> memref<1x128x16xbf16, #tpu.memory_space<vmem>>
        %dma_wait3A_172 = tpu.memref_squeeze %dma_wait3A_171 : memref<1x128x16xbf16, #tpu.memory_space<vmem>> -> memref<128x16xbf16, #tpu.memory_space<vmem>>
        %dma_wait3A_173 = arith.constant 0 : i32
        %dma_wait3A_174 = tpu.memref_slice %arg6[%dma_wait3A_167, %dma_wait3A_173] : memref<392x128xi32, #tpu.memory_space<vmem>> -> memref<1x128xi32, #tpu.memory_space<vmem>>
        %dma_wait3A_175 = tpu.memref_squeeze %dma_wait3A_174 : memref<1x128xi32, #tpu.memory_space<vmem>> -> memref<128xi32, #tpu.memory_space<vmem>>
        %dma_wait3A_176 = arith.constant 0 : i32
        %dma_wait3A_177 = arith.constant 0 : i32
        %dma_wait3A_178 = tpu.memref_slice %arg2[%dma_wait3A_176, %dma_wait3A_177] : memref<200000x16xbf16, #tpu.memory_space<hbm>> -> memref<200000x16xbf16, #tpu.memory_space<hbm>>
        tpu.wait_indirect_dma semaphore(%arg12 : memref<!tpu.dma_semaphore, #tpu.memory_space<semaphore_mem>>) src(%dma_wait3A_178 : memref<200000x16xbf16, #tpu.memory_space<hbm>>) dst(%dma_wait3A_172 : memref<128x16xbf16, #tpu.memory_space<vmem>>)
        %mul3A_179 = arith.constant 2 : i32
        %mul3A_180 = arith.muli %add3A_71, %mul3A_179 : i32
        %add3A_181 = arith.constant 0 : i32
        %add3A_182 = arith.addi %mul3A_180, %add3A_181 : i32
        %dma_start3A_183 = arith.constant 0 : i32
        %dma_start3A_184 = arith.constant 0 : i32
        %dma_start3A_185 = arith.constant 0 : i32
        %dma_start3A_186 = tpu.memref_slice %arg9[%dma_start3A_183, %dma_start3A_184, %dma_start3A_185] : memref<2x128x16xbf16, #tpu.memory_space<vmem>> -> memref<1x128x16xbf16, #tpu.memory_space<vmem>>
        %dma_start3A_187 = tpu.memref_squeeze %dma_start3A_186 : memref<1x128x16xbf16, #tpu.memory_space<vmem>> -> memref<128x16xbf16, #tpu.memory_space<vmem>>
        %dma_start3A_188 = arith.constant 0 : i32
        %dma_start3A_189 = tpu.memref_slice %arg7[%add3A_182, %dma_start3A_188] : memref<392x128xi32, #tpu.memory_space<vmem>> -> memref<1x128xi32, #tpu.memory_space<vmem>>
        %dma_start3A_190 = tpu.memref_squeeze %dma_start3A_189 : memref<1x128xi32, #tpu.memory_space<vmem>> -> memref<128xi32, #tpu.memory_space<vmem>>
        %dma_start3A_191 = arith.constant 0 : i32
        %dma_start3A_192 = arith.constant 0 : i32
        %dma_start3A_193 = tpu.memref_slice %arg10[%dma_start3A_191, %dma_start3A_192] : memref<50048x16xbf16, #tpu.memory_space<vmem_shared>> -> memref<50048x16xbf16, #tpu.memory_space<vmem_shared>>
        tpu.enqueue_indirect_dma source(%dma_start3A_187 : memref<128x16xbf16, #tpu.memory_space<vmem>>) target(%dma_start3A_193 : memref<50048x16xbf16, #tpu.memory_space<vmem_shared>>) offsets(%dma_start3A_190 : memref<128xi32, #tpu.memory_space<vmem>>) semaphore(%arg14 : memref<!tpu.dma_semaphore, #tpu.memory_space<semaphore_mem>>) {add = true}
        %mul3A_194 = arith.constant 2 : i32
        %mul3A_195 = arith.muli %add3A_71, %mul3A_194 : i32
        %add3A_196 = arith.constant 1 : i32
        %add3A_197 = arith.addi %mul3A_195, %add3A_196 : i32
        %dma_start3A_198 = arith.constant 1 : i32
        %dma_start3A_199 = arith.constant 0 : i32
        %dma_start3A_200 = arith.constant 0 : i32
        %dma_start3A_201 = tpu.memref_slice %arg9[%dma_start3A_198, %dma_start3A_199, %dma_start3A_200] : memref<2x128x16xbf16, #tpu.memory_space<vmem>> -> memref<1x128x16xbf16, #tpu.memory_space<vmem>>
        %dma_start3A_202 = tpu.memref_squeeze %dma_start3A_201 : memref<1x128x16xbf16, #tpu.memory_space<vmem>> -> memref<128x16xbf16, #tpu.memory_space<vmem>>
        %dma_start3A_203 = arith.constant 0 : i32
        %dma_start3A_204 = tpu.memref_slice %arg7[%add3A_197, %dma_start3A_203] : memref<392x128xi32, #tpu.memory_space<vmem>> -> memref<1x128xi32, #tpu.memory_space<vmem>>
        %dma_start3A_205 = tpu.memref_squeeze %dma_start3A_204 : memref<1x128xi32, #tpu.memory_space<vmem>> -> memref<128xi32, #tpu.memory_space<vmem>>
        %dma_start3A_206 = arith.constant 0 : i32
        %dma_start3A_207 = arith.constant 0 : i32
        %dma_start3A_208 = tpu.memref_slice %arg10[%dma_start3A_206, %dma_start3A_207] : memref<50048x16xbf16, #tpu.memory_space<vmem_shared>> -> memref<50048x16xbf16, #tpu.memory_space<vmem_shared>>
        tpu.enqueue_indirect_dma source(%dma_start3A_202 : memref<128x16xbf16, #tpu.memory_space<vmem>>) target(%dma_start3A_208 : memref<50048x16xbf16, #tpu.memory_space<vmem_shared>>) offsets(%dma_start3A_205 : memref<128xi32, #tpu.memory_space<vmem>>) semaphore(%arg14 : memref<!tpu.dma_semaphore, #tpu.memory_space<semaphore_mem>>) {add = true}
        %mul3A_209 = arith.constant 2 : i32
        %mul3A_210 = arith.muli %mul3A_67, %mul3A_209 : i32
        %add3A_211 = arith.constant 0 : i32
        %add3A_212 = arith.addi %mul3A_210, %add3A_211 : i32
        %dma_wait3A_213 = arith.constant 0 : i32
        %dma_wait3A_214 = arith.constant 0 : i32
        %dma_wait3A_215 = arith.constant 0 : i32
        %dma_wait3A_216 = tpu.memref_slice %arg8[%dma_wait3A_213, %dma_wait3A_214, %dma_wait3A_215] : memref<2x128x16xbf16, #tpu.memory_space<vmem>> -> memref<1x128x16xbf16, #tpu.memory_space<vmem>>
        %dma_wait3A_217 = tpu.memref_squeeze %dma_wait3A_216 : memref<1x128x16xbf16, #tpu.memory_space<vmem>> -> memref<128x16xbf16, #tpu.memory_space<vmem>>
        %dma_wait3A_218 = arith.constant 0 : i32
        %dma_wait3A_219 = tpu.memref_slice %arg7[%add3A_212, %dma_wait3A_218] : memref<392x128xi32, #tpu.memory_space<vmem>> -> memref<1x128xi32, #tpu.memory_space<vmem>>
        %dma_wait3A_220 = tpu.memref_squeeze %dma_wait3A_219 : memref<1x128xi32, #tpu.memory_space<vmem>> -> memref<128xi32, #tpu.memory_space<vmem>>
        %dma_wait3A_221 = arith.constant 0 : i32
        %dma_wait3A_222 = arith.constant 0 : i32
        %dma_wait3A_223 = tpu.memref_slice %arg10[%dma_wait3A_221, %dma_wait3A_222] : memref<50048x16xbf16, #tpu.memory_space<vmem_shared>> -> memref<50048x16xbf16, #tpu.memory_space<vmem_shared>>
        tpu.wait_indirect_dma semaphore(%arg13 : memref<!tpu.dma_semaphore, #tpu.memory_space<semaphore_mem>>) src(%dma_wait3A_217 : memref<128x16xbf16, #tpu.memory_space<vmem>>) dst(%dma_wait3A_223 : memref<50048x16xbf16, #tpu.memory_space<vmem_shared>>)
        %mul3A_224 = arith.constant 2 : i32
        %mul3A_225 = arith.muli %mul3A_67, %mul3A_224 : i32
        %add3A_226 = arith.constant 1 : i32
        %add3A_227 = arith.addi %mul3A_225, %add3A_226 : i32
        %dma_wait3A_228 = arith.constant 1 : i32
        %dma_wait3A_229 = arith.constant 0 : i32
        %dma_wait3A_230 = arith.constant 0 : i32
        %dma_wait3A_231 = tpu.memref_slice %arg8[%dma_wait3A_228, %dma_wait3A_229, %dma_wait3A_230] : memref<2x128x16xbf16, #tpu.memory_space<vmem>> -> memref<1x128x16xbf16, #tpu.memory_space<vmem>>
        %dma_wait3A_232 = tpu.memref_squeeze %dma_wait3A_231 : memref<1x128x16xbf16, #tpu.memory_space<vmem>> -> memref<128x16xbf16, #tpu.memory_space<vmem>>
        %dma_wait3A_233 = arith.constant 0 : i32
        %dma_wait3A_234 = tpu.memref_slice %arg7[%add3A_227, %dma_wait3A_233] : memref<392x128xi32, #tpu.memory_space<vmem>> -> memref<1x128xi32, #tpu.memory_space<vmem>>
        %dma_wait3A_235 = tpu.memref_squeeze %dma_wait3A_234 : memref<1x128xi32, #tpu.memory_space<vmem>> -> memref<128xi32, #tpu.memory_space<vmem>>
        %dma_wait3A_236 = arith.constant 0 : i32
        %dma_wait3A_237 = arith.constant 0 : i32
        %dma_wait3A_238 = tpu.memref_slice %arg10[%dma_wait3A_236, %dma_wait3A_237] : memref<50048x16xbf16, #tpu.memory_space<vmem_shared>> -> memref<50048x16xbf16, #tpu.memory_space<vmem_shared>>
        tpu.wait_indirect_dma semaphore(%arg13 : memref<!tpu.dma_semaphore, #tpu.memory_space<semaphore_mem>>) src(%dma_wait3A_232 : memref<128x16xbf16, #tpu.memory_space<vmem>>) dst(%dma_wait3A_238 : memref<50048x16xbf16, #tpu.memory_space<vmem_shared>>)
        %add3A_239 = arith.constant 1 : i32
        %add3A_240 = arith.addi %add3A_65, %add3A_239 : i32
        %lt3A = arith.constant 98 : i32
        %lt3A_241 = arith.cmpi slt, %add3A_240, %lt3A : i32
        %convert_element_type3A_242 = arith.extui %lt3A_241 : i1 to i32
        %cond3A_243 = arith.constant 0 : i32
        %cond3A_244 = arith.cmpi ne, %convert_element_type3A_242, %cond3A_243 : i32
        scf.if %cond3A_244 {
          %add3A_275 = arith.constant 2 : i32
          %add3A_276 = arith.addi %mul3A_67, %add3A_275 : i32
          %mul3A_277 = arith.constant 2 : i32
          %mul3A_278 = arith.muli %add3A_276, %mul3A_277 : i32
          %add3A_279 = arith.constant 0 : i32
          %add3A_280 = arith.addi %mul3A_278, %add3A_279 : i32
          %dma_start3A_281 = arith.constant 0 : i32
          %dma_start3A_282 = arith.constant 0 : i32
          %dma_start3A_283 = arith.constant 0 : i32
          %dma_start3A_284 = tpu.memref_slice %arg8[%dma_start3A_281, %dma_start3A_282, %dma_start3A_283] : memref<2x128x16xbf16, #tpu.memory_space<vmem>> -> memref<1x128x16xbf16, #tpu.memory_space<vmem>>
          %dma_start3A_285 = tpu.memref_squeeze %dma_start3A_284 : memref<1x128x16xbf16, #tpu.memory_space<vmem>> -> memref<128x16xbf16, #tpu.memory_space<vmem>>
          %dma_start3A_286 = arith.constant 0 : i32
          %dma_start3A_287 = tpu.memref_slice %arg6[%add3A_280, %dma_start3A_286] : memref<392x128xi32, #tpu.memory_space<vmem>> -> memref<1x128xi32, #tpu.memory_space<vmem>>
          %dma_start3A_288 = tpu.memref_squeeze %dma_start3A_287 : memref<1x128xi32, #tpu.memory_space<vmem>> -> memref<128xi32, #tpu.memory_space<vmem>>
          %dma_start3A_289 = arith.constant 0 : i32
          %dma_start3A_290 = arith.constant 0 : i32
          %dma_start3A_291 = tpu.memref_slice %arg2[%dma_start3A_289, %dma_start3A_290] : memref<200000x16xbf16, #tpu.memory_space<hbm>> -> memref<200000x16xbf16, #tpu.memory_space<hbm>>
          tpu.enqueue_indirect_dma source(%dma_start3A_291 : memref<200000x16xbf16, #tpu.memory_space<hbm>>) target(%dma_start3A_285 : memref<128x16xbf16, #tpu.memory_space<vmem>>) offsets(%dma_start3A_288 : memref<128xi32, #tpu.memory_space<vmem>>) semaphore(%arg11 : memref<!tpu.dma_semaphore, #tpu.memory_space<semaphore_mem>>)
          %mul3A_292 = arith.constant 2 : i32
          %mul3A_293 = arith.muli %add3A_276, %mul3A_292 : i32
          %add3A_294 = arith.constant 1 : i32
          %add3A_295 = arith.addi %mul3A_293, %add3A_294 : i32
          %dma_start3A_296 = arith.constant 1 : i32
          %dma_start3A_297 = arith.constant 0 : i32
          %dma_start3A_298 = arith.constant 0 : i32
          %dma_start3A_299 = tpu.memref_slice %arg8[%dma_start3A_296, %dma_start3A_297, %dma_start3A_298] : memref<2x128x16xbf16, #tpu.memory_space<vmem>> -> memref<1x128x16xbf16, #tpu.memory_space<vmem>>
          %dma_start3A_300 = tpu.memref_squeeze %dma_start3A_299 : memref<1x128x16xbf16, #tpu.memory_space<vmem>> -> memref<128x16xbf16, #tpu.memory_space<vmem>>
          %dma_start3A_301 = arith.constant 0 : i32
          %dma_start3A_302 = tpu.memref_slice %arg6[%add3A_295, %dma_start3A_301] : memref<392x128xi32, #tpu.memory_space<vmem>> -> memref<1x128xi32, #tpu.memory_space<vmem>>
          %dma_start3A_303 = tpu.memref_squeeze %dma_start3A_302 : memref<1x128xi32, #tpu.memory_space<vmem>> -> memref<128xi32, #tpu.memory_space<vmem>>
          %dma_start3A_304 = arith.constant 0 : i32
          %dma_start3A_305 = arith.constant 0 : i32
          %dma_start3A_306 = tpu.memref_slice %arg2[%dma_start3A_304, %dma_start3A_305] : memref<200000x16xbf16, #tpu.memory_space<hbm>> -> memref<200000x16xbf16, #tpu.memory_space<hbm>>
          tpu.enqueue_indirect_dma source(%dma_start3A_306 : memref<200000x16xbf16, #tpu.memory_space<hbm>>) target(%dma_start3A_300 : memref<128x16xbf16, #tpu.memory_space<vmem>>) offsets(%dma_start3A_303 : memref<128xi32, #tpu.memory_space<vmem>>) semaphore(%arg11 : memref<!tpu.dma_semaphore, #tpu.memory_space<semaphore_mem>>)
        } else {
        }
        %mul3A_245 = arith.constant 2 : i32
        %mul3A_246 = arith.muli %add3A_71, %mul3A_245 : i32
        %add3A_247 = arith.constant 0 : i32
        %add3A_248 = arith.addi %mul3A_246, %add3A_247 : i32
        %dma_wait3A_249 = arith.constant 0 : i32
        %dma_wait3A_250 = arith.constant 0 : i32
        %dma_wait3A_251 = arith.constant 0 : i32
        %dma_wait3A_252 = tpu.memref_slice %arg9[%dma_wait3A_249, %dma_wait3A_250, %dma_wait3A_251] : memref<2x128x16xbf16, #tpu.memory_space<vmem>> -> memref<1x128x16xbf16, #tpu.memory_space<vmem>>
        %dma_wait3A_253 = tpu.memref_squeeze %dma_wait3A_252 : memref<1x128x16xbf16, #tpu.memory_space<vmem>> -> memref<128x16xbf16, #tpu.memory_space<vmem>>
        %dma_wait3A_254 = arith.constant 0 : i32
        %dma_wait3A_255 = tpu.memref_slice %arg7[%add3A_248, %dma_wait3A_254] : memref<392x128xi32, #tpu.memory_space<vmem>> -> memref<1x128xi32, #tpu.memory_space<vmem>>
        %dma_wait3A_256 = tpu.memref_squeeze %dma_wait3A_255 : memref<1x128xi32, #tpu.memory_space<vmem>> -> memref<128xi32, #tpu.memory_space<vmem>>
        %dma_wait3A_257 = arith.constant 0 : i32
        %dma_wait3A_258 = arith.constant 0 : i32
        %dma_wait3A_259 = tpu.memref_slice %arg10[%dma_wait3A_257, %dma_wait3A_258] : memref<50048x16xbf16, #tpu.memory_space<vmem_shared>> -> memref<50048x16xbf16, #tpu.memory_space<vmem_shared>>
        tpu.wait_indirect_dma semaphore(%arg14 : memref<!tpu.dma_semaphore, #tpu.memory_space<semaphore_mem>>) src(%dma_wait3A_253 : memref<128x16xbf16, #tpu.memory_space<vmem>>) dst(%dma_wait3A_259 : memref<50048x16xbf16, #tpu.memory_space<vmem_shared>>)
        %mul3A_260 = arith.constant 2 : i32
        %mul3A_261 = arith.muli %add3A_71, %mul3A_260 : i32
        %add3A_262 = arith.constant 1 : i32
        %add3A_263 = arith.addi %mul3A_261, %add3A_262 : i32
        %dma_wait3A_264 = arith.constant 1 : i32
        %dma_wait3A_265 = arith.constant 0 : i32
        %dma_wait3A_266 = arith.constant 0 : i32
        %dma_wait3A_267 = tpu.memref_slice %arg9[%dma_wait3A_264, %dma_wait3A_265, %dma_wait3A_266] : memref<2x128x16xbf16, #tpu.memory_space<vmem>> -> memref<1x128x16xbf16, #tpu.memory_space<vmem>>
        %dma_wait3A_268 = tpu.memref_squeeze %dma_wait3A_267 : memref<1x128x16xbf16, #tpu.memory_space<vmem>> -> memref<128x16xbf16, #tpu.memory_space<vmem>>
        %dma_wait3A_269 = arith.constant 0 : i32
        %dma_wait3A_270 = tpu.memref_slice %arg7[%add3A_263, %dma_wait3A_269] : memref<392x128xi32, #tpu.memory_space<vmem>> -> memref<1x128xi32, #tpu.memory_space<vmem>>
        %dma_wait3A_271 = tpu.memref_squeeze %dma_wait3A_270 : memref<1x128xi32, #tpu.memory_space<vmem>> -> memref<128xi32, #tpu.memory_space<vmem>>
        %dma_wait3A_272 = arith.constant 0 : i32
        %dma_wait3A_273 = arith.constant 0 : i32
        %dma_wait3A_274 = tpu.memref_slice %arg10[%dma_wait3A_272, %dma_wait3A_273] : memref<50048x16xbf16, #tpu.memory_space<vmem_shared>> -> memref<50048x16xbf16, #tpu.memory_space<vmem_shared>>
        tpu.wait_indirect_dma semaphore(%arg14 : memref<!tpu.dma_semaphore, #tpu.memory_space<semaphore_mem>>) src(%dma_wait3A_268 : memref<128x16xbf16, #tpu.memory_space<vmem>>) dst(%dma_wait3A_274 : memref<50048x16xbf16, #tpu.memory_space<vmem_shared>>)
      }
      %scan3A_43 = arith.constant 98 : i32
      %barrier3A_44 = arith.constant 0 : index
      tpu.barrier barrier_id(%barrier3A_44)
      %mul3A_45 = arith.constant 2 : i32
      %mul3A_46 = arith.muli %mul3A_45, %arg0 : i32
      %add3A_47 = arith.addi %mul3A_46, %add3A_9 : i32
      %mul3A_48 = arith.constant 16 : i32
      %mul3A_49 = arith.muli %mul3A_48, %add3A_47 : i32
      %eq3A_50 = arith.constant 15 : i32
      %eq3A_51 = arith.cmpi eq, %arg1, %eq3A_50 : i32
      %convert_element_type3A_52 = arith.extui %eq3A_51 : i1 to i32
      %cond3A_53 = arith.constant 0 : i32
      %cond3A_54 = arith.cmpi ne, %convert_element_type3A_52, %cond3A_53 : i32
      scf.if %cond3A_54 {
        "tpu.region"() ({
          %run_scoped3A_61 = tpu.sem_alloc : memref<!tpu.dma_semaphore, #tpu.memory_space<semaphore_mem>>
          %dma_start3A_62 = tpu.memref_slice %arg5[%mul3A_0, %mul3A_49] : memref<50000x64xbf16, #tpu.memory_space<hbm>> -> memref<3080x16xbf16, #tpu.memory_space<hbm>>
          %dma_start3A_63 = arith.constant 0 : i32
          %dma_start3A_64 = tpu.memref_slice %arg10[%mul3A_0, %dma_start3A_63] : memref<50048x16xbf16, #tpu.memory_space<vmem_shared>> -> memref<3080x16xbf16, #tpu.memory_space<vmem_shared>>
          tpu.enqueue_dma source(%dma_start3A_64 : memref<3080x16xbf16, #tpu.memory_space<vmem_shared>>) target(%dma_start3A_62 : memref<3080x16xbf16, #tpu.memory_space<hbm>>) target_semaphore(%run_scoped3A_61 : memref<!tpu.dma_semaphore, #tpu.memory_space<semaphore_mem>>)
          %dma_wait3A = tpu.memref_slice %arg5[%mul3A_0, %mul3A_49] : memref<50000x64xbf16, #tpu.memory_space<hbm>> -> memref<3080x16xbf16, #tpu.memory_space<hbm>>
          %dma_wait3A_65 = arith.constant 0 : i32
          %dma_wait3A_66 = tpu.memref_slice %arg10[%mul3A_0, %dma_wait3A_65] : memref<50048x16xbf16, #tpu.memory_space<vmem_shared>> -> memref<3080x16xbf16, #tpu.memory_space<vmem_shared>>
          tpu.wait_dma2 semaphore(%run_scoped3A_61 : memref<!tpu.dma_semaphore, #tpu.memory_space<semaphore_mem>>) src(%dma_wait3A_66 : memref<3080x16xbf16, #tpu.memory_space<vmem_shared>>) dst(%dma_wait3A : memref<3080x16xbf16, #tpu.memory_space<hbm>>)
          tpu.yield
        }) : () -> ()
      } else {
      }
      %ne3A_55 = arith.constant 15 : i32
      %ne3A_56 = arith.cmpi ne, %arg1, %ne3A_55 : i32
      %convert_element_type3A_57 = arith.extui %ne3A_56 : i1 to i32
      %cond3A_58 = arith.constant 0 : i32
      %cond3A_59 = arith.cmpi ne, %convert_element_type3A_57, %cond3A_58 : i32
      scf.if %cond3A_59 {
        "tpu.region"() ({
          %run_scoped3A_61 = tpu.sem_alloc : memref<!tpu.dma_semaphore, #tpu.memory_space<semaphore_mem>>
          %dma_start3A_62 = tpu.memref_slice %arg5[%mul3A_0, %mul3A_49] : memref<50000x64xbf16, #tpu.memory_space<hbm>> -> memref<3128x16xbf16, #tpu.memory_space<hbm>>
          %dma_start3A_63 = arith.constant 0 : i32
          %dma_start3A_64 = tpu.memref_slice %arg10[%mul3A_0, %dma_start3A_63] : memref<50048x16xbf16, #tpu.memory_space<vmem_shared>> -> memref<3128x16xbf16, #tpu.memory_space<vmem_shared>>
          tpu.enqueue_dma source(%dma_start3A_64 : memref<3128x16xbf16, #tpu.memory_space<vmem_shared>>) target(%dma_start3A_62 : memref<3128x16xbf16, #tpu.memory_space<hbm>>) target_semaphore(%run_scoped3A_61 : memref<!tpu.dma_semaphore, #tpu.memory_space<semaphore_mem>>)
          %dma_wait3A = tpu.memref_slice %arg5[%mul3A_0, %mul3A_49] : memref<50000x64xbf16, #tpu.memory_space<hbm>> -> memref<3128x16xbf16, #tpu.memory_space<hbm>>
          %dma_wait3A_65 = arith.constant 0 : i32
          %dma_wait3A_66 = tpu.memref_slice %arg10[%mul3A_0, %dma_wait3A_65] : memref<50048x16xbf16, #tpu.memory_space<vmem_shared>> -> memref<3128x16xbf16, #tpu.memory_space<vmem_shared>>
          tpu.wait_dma2 semaphore(%run_scoped3A_61 : memref<!tpu.dma_semaphore, #tpu.memory_space<semaphore_mem>>) src(%dma_wait3A_66 : memref<3128x16xbf16, #tpu.memory_space<vmem_shared>>) dst(%dma_wait3A : memref<3128x16xbf16, #tpu.memory_space<hbm>>)
          tpu.yield
        }) : () -> ()
      } else {
      }
      %barrier3A_60 = arith.constant 0 : index
      tpu.barrier barrier_id(%barrier3A_60)
    }
    %scan3A_5 = arith.constant 2 : i32
    return
  }
}

</mosaic_0001>

<sc_bundles>
// kernel: _sc_aggregate_bf.3.cloned.1.call-start
scs
__scs_entry_jumppad:
0x0: {  	(pc) =	sbr.rel $0x88, $3  }
0x1: {  	(tag) =	ssettag $0x0;
	lr =	simm.s32 $0x1  }
0x2: {  	[smem:$0x3F9E] =	sst lr;
	_ =	strace $0xD0000000  }
0x3: {  	_ = 	snop  }
0x4: {  	_ = 	snop  }
0x5: {  	_ = 	snop  }
0x6: {  	_ = 	snop  }
0x7: {  	_ = 	snop  }
__scs_overlays_trampoline_lowered:
0x8: {  	[smem:$0x3FAD] =	sst s0  }
0x9: {  	[smem:$0x3FAE] =	sst s1  }
0xa: {  	[smem:$0x3FAF] =	sst s2  }
0xb: {  	[smem:$0x3FB0] =	sst s3  }
0xc: {  	[smem:$0x3FB1] =	sst s4  }
0xd: {  	[smem:$0x3FB2] =	sst s5  }
0xe: {  	[smem:$0x3FB3] =	sst s6  }
0xf: {  	[smem:$0x3FB4] =	sst s7  }
0x10: {  	[smem:$0x3FB5] =	sst s8  }
0x11: {  	[smem:$0x3FB6] =	sst s9;
	s0 =	simm.s32 @!p0 $0x0  }
0x12: {  	s1 =	sld [smem:$0x3F9C];
	s0 =	simm.s32 @p0 $0x1  }
0x13: {  	[smem:$0x3FB7] =	sst s0;
	s0 =	simm.s32 @!p1 $0x0  }
0x14: {  	s2 =	sld [smem:$0x3F9B];
	s0 =	simm.s32 @p1 $0x1  }
0x15: {  	[smem:$0x3FB8] =	sst s0;
	s0 =	simm.s32 @!p2 $0x0  }
0x16: {  	s3 =	sld [smem:$0x3FDB];
	s0 =	simm.s32 @p2 $0x1  }
0x17: {  	s4 =	simm.s32 $0x1BF5;
	[smem:$0x3FBA] =	sst s0  }
0x18: {  	s0 =	sld [smem:$0x3F9D];
	_ =	swait.ge [sflag:s4], $0x0  }
0x19: {  	s7 =	sld [smem:$0x3F9E]  }
0x1a: {  	s8 =	sadd.s32 $0xFFFFE003, lr  }
0x1b: {  	s9 =	sadd.s32 $0xFFFFFEF7, lr;
	s5 =	simm.s32 $0xFFFFFFFF;
	p2 =	slt.u32 s8, $0xFFFFF086  }
0x1c: {  	p1 =	slt.u32 s9, $0xF7A;
	s5 =	simm.s32 @!p2 $0x0  }
0x1d: {  	s5 =	simm.s32 @p1 $0x1;
	p0 =	seq.s32 s7, s2  }
0x1e: {  	s7 =	smul.u32 @!p0 $0xF7A, s2;
	p2 =	seq.s32 @!p0 s5, $0x0  }
0x1f: {  	s9 =	smul.u32 $0xF7A, s1;
	s8 =	simm.s32 @!p0 $0x1BF5;
	p2 =	por !p2, p0  }
0x20: {  	[sflag:s8] =	ssyncset.s32 @!p0 $0xFFFFF086;
	s6 =	sadd.s32 @!p0 s3, s7;
	s7 =	simm.s32 @!p0 $0x108  }
0x21: {  	s3 =	sadd.s32 s3, s9;
	s6 =	sadd.s32 @!p0 $0x88, s6;
	s7 =	simm.s32 @p2 $0x1082  }
0x22: {  	[simem:s7], [sflag:s8] =	dma.local @!p0 [hbm:s6], $0xF7A  }
0x23: {  	s9 =	sor.u32 $0xD0000000, s2;
	s6 =	simm.s32 $0x108;
	_ =	swait.ge @!p0 [sflag:s8], $0x0  }
0x24: {  	s3 =	sadd.s32 $0x88, s3;
	s6 =	simm.s32 @!p1 $0x1082;
	[sflag:s4] =	ssyncset.s32 $0xFFFFF086  }
0x25: {  	[simem:s6], [sflag:s4] =	dma.local [hbm:s3], $0xF7A  }
0x26: {  	[smem:$0x3F9E] =	sst s1;
	(tag) =	ssettag s2;
	_ =	strace s9  }
0x27: {  	s1 =	sld [smem:$0x3FAE]  }
0x28: {  	s2 =	sld [smem:$0x3FAF]  }
0x29: {  	s4 =	sld [smem:$0x3FB1]  }
0x2a: {  	p0 =	seq.s32 s5, $0x0;
	s5 =	sld [smem:$0x3FB2]  }
0x2b: {  	s6 =	sld [smem:$0x3FB3]  }
0x2c: {  	s7 =	sld [smem:$0x3FB4]  }
0x2d: {  	s3 =	simm.s32 $0x108;
	s8 =	sld [smem:$0x3FB5]  }
0x2e: {  	s3 =	simm.s32 @!p0 $0x1082;
	s9 =	sld [smem:$0x3FB6]  }
0x2f: {  	lr =	sadd.s32 s0, s3;
	s0 =	sld [smem:$0x3FAD]  }
0x30: {  	s3 =	sld [smem:$0x3FB0]  }
0x31: {  	[smem:$0x3FB9] =	sst s10  }
0x32: {  	s10 =	sld [smem:$0x3FB7];
	_ =	sdelay $0x3  }
0x33: {  	p0 =	seq.s32 s10, $0x1;
	s10 =	sld [smem:$0x3FB9];
	_ =	sdelay $0x3  }
0x34: {  	[smem:$0x3FB9] =	sst s10  }
0x35: {  	s10 =	sld [smem:$0x3FB8];
	_ =	sdelay $0x3  }
0x36: {  	p1 =	seq.s32 s10, $0x1;
	s10 =	sld [smem:$0x3FB9];
	_ =	sdelay $0x3  }
0x37: {  	[smem:$0x3FB9] =	sst s10  }
0x38: {  	s10 =	sld [smem:$0x3FBA]  }
0x39: {  	_ = 	snop;
	(pc) =	sbr.ind lr, $3  }
0x3a: {  	_ = 	snop  }
0x3b: {  	_ = 	snop  }
0x3c: {  	p2 =	seq.s32 s10, $0x1;
	s10 =	sld [smem:$0x3FB9]  }
0x3d: {  	_ =	shalt  }
0x3e: {  	_ =	shalt  }
0x3f: {  	_ =	shalt  }
0x40: {  	_ =	shalt  }
0x41: {  	_ =	shalt  }
0x42: {  	_ =	shalt  }
0x43: {  	_ =	shalt  }
0x44: {  	_ =	shalt  }
0x45: {  	_ =	shalt  }
0x46: {  	_ =	shalt  }
0x47: {  	_ =	shalt  }
0x48: {  	_ =	shalt  }
0x49: {  	_ =	shalt  }
0x4a: {  	_ =	shalt  }
0x4b: {  	_ =	shalt  }
0x4c: {  	_ =	shalt  }
0x4d: {  	_ =	shalt  }
0x4e: {  	_ =	shalt  }
0x4f: {  	_ =	shalt  }
0x50: {  	_ =	shalt  }
0x51: {  	_ =	shalt  }
0x52: {  	_ =	shalt  }
0x53: {  	_ =	shalt  }
0x54: {  	_ =	shalt  }
0x55: {  	_ =	shalt  }
0x56: {  	_ =	shalt  }
0x57: {  	_ =	shalt  }
0x58: {  	_ =	shalt  }
0x59: {  	_ =	shalt  }
0x5a: {  	_ =	shalt  }
0x5b: {  	_ =	shalt  }
0x5c: {  	_ =	shalt  }
0x5d: {  	_ =	shalt  }
0x5e: {  	_ =	shalt  }
0x5f: {  	_ =	shalt  }
0x60: {  	_ =	shalt  }
0x61: {  	_ =	shalt  }
0x62: {  	_ =	shalt  }
0x63: {  	_ =	shalt  }
0x64: {  	_ =	shalt  }
0x65: {  	_ =	shalt  }
0x66: {  	_ =	shalt  }
0x67: {  	_ =	shalt  }
0x68: {  	_ =	shalt  }
0x69: {  	_ =	shalt  }
0x6a: {  	_ =	shalt  }
0x6b: {  	_ =	shalt  }
0x6c: {  	_ =	shalt  }
0x6d: {  	_ =	shalt  }
0x6e: {  	_ =	shalt  }
0x6f: {  	_ =	shalt  }
0x70: {  	_ =	shalt  }
0x71: {  	_ =	shalt  }
0x72: {  	_ =	shalt  }
0x73: {  	_ =	shalt  }
0x74: {  	_ =	shalt  }
0x75: {  	_ =	shalt  }
0x76: {  	_ =	shalt  }
0x77: {  	_ =	shalt  }
0x78: {  	_ =	shalt  }
0x79: {  	_ =	shalt  }
0x7a: {  	_ =	shalt  }
0x7b: {  	_ =	shalt  }
0x7c: {  	_ =	shalt  }
0x7d: {  	_ =	shalt  }
0x7e: {  	_ =	shalt  }
0x7f: {  	_ =	shalt  }
0x80: {  	_ =	shalt  }
0x81: {  	_ =	shalt  }
0x82: {  	_ =	shalt  }
0x83: {  	_ =	shalt  }
0x84: {  	_ =	shalt  }
0x85: {  	_ =	shalt  }
0x86: {  	_ =	shalt  }
0x87: {  	_ =	shalt  }
.Lfunc_end0:
.L_simem_size_0:
called_computation_lowered:
.L_overlay_start_0:
0x88: {  	s2 =	sld [smem:$0x3FD9]  }
0x89: {  	s3 =	sld [smem:$0x3FFE];
	_ =	sdelay $0x1  }
0x8a: {  	s1 =	srdreg.scid  }
0x8b: {  	s0 =	sand.u32 $0x1, s1  }
0x8c: {  	s17 =	sshll.u32 s0, $0xA;
	s2 =	sadd.s32 s3, s2  }
0x8d: {  	s2 =	sadd.s32 s2, s17  }
0x8e: {  	[smem:$0x3FC5] =	sst s2  }
0x8f: {  	_ = 	snop  }
0x90: {  	s2 =	sld [smem:$0x3FC8]  }
0x91: {  	s18 =	sld [smem:$0x3FD0];
	(tm) =	ssettm $0x1  }
0x92: {  	s4 =	sld [smem:$0x3FFB];
	_ =	sdelay $0x3  }
0x93: {  	_ =	strace s4  }
0x94: {  	s4 =	sld [smem:$0x3FFC];
	_ =	sdelay $0x3  }
0x95: {  	_ =	strace s4  }
0x96: {  	s4 =	sld [smem:$0x3FFD];
	_ =	sdelay $0x3  }
0x97: {  	_ =	strace s4  }
0x98: {  	_ =	strace $0x8FFFFFFF  }
0x99: {  	s19 =	sld [smem:$0x3FDB];
	_ =	sdelay $0x1  }
0x9a: {  	s5 =	simm.s32 $_scs_section_size  }
0x9b: {  	s6 =	simm.s32 $_size__tile_overlayer_lowered;
	s7 =	simm.s32 $_tile_overlayer_lowered  }
0x9c: {  	s22 =	simm.s32 $0x1BFF;
	s21 =	sshll.u32 s7, $0x1;
	s4 =	sadd.s32 s5, s19  }
0x9d: {  	s8 =	simm.s32 $0x0;
	s20 =	sshll.u32 s6, $0x1;
	s6 =	sadd.s32 s21, s4  }
0x9e: {  	[timem:s8], [sflag:s22] =	dma.local [hbm:s6], s20  }
0x9f: {  	_ =	swait.ge [sflag:s22], s20  }
0xa0: {  	s5 =	ssub.s32 $0x0, s20;
	[sflag:s22] =	ssyncset.done $0x0  }
0xa1: {  	[sflag:s22] =	ssyncadd.s32 s5;
	_ =	sdelay $0x1  }
0xa2: {  	s23 =	simm.s32 $0x1B8B  }
0xa3: {  	_ =	swait.ge [sflag:s23], $0x1  }
0xa4: {  	[sflag:s23] =	ssyncset.done $0x0  }
0xa5: {  	s25 =	simm.s32 $0x1B8E;
	s24 =	sld [smem:$0x3FFE];
	[sflag:s23] =	ssyncadd.s32 $0xFFFFFFFF  }
0xa6: {  	s26 =	simm.s32 $execute0_lowered;
	[smem:$0x3FD2] =	sst s25  }
0xa7: {  	s6 =	sshll.u32 s26, $0x1;
	_ =	strace $0x80000046;
	[dreg:$0x1] =	wrdreg $0xFFFFFFFF  }
0xa8: {  	s28 =	simm.s32 $_size_execute0_lowered;
	s4 =	sadd.s32 s4, s6;
	[dreg:$0x0] =	wrdreg $0x0  }
0xa9: {  	s6 =	sshll.u32 s28, $0x1;
	[dreg:$0x2] =	wrdreg s4  }
0xaa: {  	[dreg:$0x3] =	wrdreg s6  }
0xab: {  	[dreg:$0x4] =	wrdreg $0xC0  }
0xac: {  	_ =	task [dreg:s8], $0x5FFFF  }
0xad: {  	[dreg:$0x1] =	wrdreg $0xFFFFFFFF  }
0xae: {  	[dreg:$0x0] =	wrdreg $0x60  }
0xaf: {  	[dreg:$0x2] =	wrdreg s18  }
0xb0: {  	[dreg:$0x3] =	wrdreg s2  }
0xb1: {  	[dreg:$0x4] =	wrdreg s24  }
0xb2: {  	[dreg:$0x5] =	wrdreg $0x198000  }
0xb3: {  	[dreg:$0x6] =	wrdreg $0x9  }
0xb4: {  	_ =	task.clear_ibuf [dreg:s8], $0x7FFFF;
	_ =	strace $0x90000046  }
0xb5: {  	s29 =	simm.s32 $0x9;
	_ =	strace $0x80000048  }
0xb6: {  	_ =	swait.ge [sflag:s29], $0x1  }
0xb7: {  	[sflag:s29] =	ssyncadd.s32 $0xFFFFFFFF  }
0xb8: {  	_ =	strace $0x90000048  }
0xb9: {  	_ =	sfence  }
0xba: {  	s30 =	sld [smem:$0x0];
	_ =	sdelay $0x2  }
0xbb: {  	s31 =	sshll.u32 s1, $0xD;
	s1 =	sshrl.u32 s1, $0x2  }
0xbc: {  	s3 =	sand.u32 $0x4000, s31;
	s1 =	sadd.s32 s1, s30  }
0xbd: {  	s0 =	sor.u32 s3, s0;
	s1 =	sshll.u32 s1, $0x11  }
0xbe: {  	s0 =	sor.u32 s1, s0  }
0xbf: {  	s0 =	sadd.s32 $0x8F2B, s0  }
0xc0: {  	[sflag:s0] =	ssyncadd.remote.s32 $0x1  }
0xc1: {  	_ =	sfence.sel $0xFFFF  }
0xc2: {  	[dreg:$0x0] =	wrdreg $0xFFFFFFFF;
	(pc) =	sbr.abs _section_cstart, $3  }
0xc3: {  	[dreg:$0x1] =	wrdreg $0xFFFFFFFF  }
0xc4: {  	_ =	task.clear_ibuf [dreg:s8], $0x2FFFF;
	_ =	strace $0x9FFFFFFF  }
0xc5: {  	(tm) =	ssettm $0x7FFFFFFF  }
tec
execute0_lowered:
.L_overlay_start_1:
0x0: {  	(tag) =	ssettag $0x1  }
0x1: {  	s1 =	rddreg [dreg:$0x0]  }
0x2: {  	s0 =	rddreg [dreg:$0x1]  }
0x3: {  	s2 =	rddreg [dreg:$0x2]  }
0x4: {  	s3 =	rddreg [dreg:$0x3];
	s4 =	simm.s32 $0x0  }
0x5: {  	s13 =	stileid.u32;
	s25 =	srdreg.scid;
	s18 =	simm.s32 $0x80  }
0x6: {  	s19 =	simm.s32 $0x18800;
	s20 =	simm.s32 $0x18C00;
	s21 =	simm.s32 $0x19000  }
0x7: {  	s22 =	simm.s32 $0x19400;
	s23 =	simm.s32 $0x1;
	s24 =	simm.s32 $0x2  }
0x8: {  	s29 =	simm.s32 $0xC380;
	s30 =	simm.s32 $0x18600;
	s31 =	simm.s32 $0x18680  }
0x9: {  	[smem:$0x7FF] =	sst s4;
	s7 =	smul.u32 $0xC400, s13;
	s5 =	sadd.s32 $0x600, s2  }
0xa: {  	s4 =	sand.u32 $0x1, s25;
	s8 =	smul.u32 $0x18700, s13;
	s6 =	sadd.s32 $0x1400, s2  }
0xb: {  	s12 =	sadd.s32 $0x2F120, s2;
	p0 =	sne.s32 s13, $0xF;
	s25 =	simm.s32 $0x3  }
0xc: {  	s2 =	simm.s32 $0x18780;
	_ =	strace $0x80000047;
	s9 =	ssub.s32 $0x2, s4  }
0xd: {  	s15 =	sshll.u32 s4, $0x1;
	s7 =	sshrl.u32 s7, $0x3;
	s10 =	sshrl.u32 s9, $0x1  }
0xe: {  	s26 =	sshrl.u32 s8, $0x2;
	s11 =	sadd.s32 s0, s7;
	s28 =	ssub.s32 s9, s10  }
0xf: {  	s9 =	sadd.s32 s26, s3;
	s10 =	sshll.u32 s4, $0x5;
	s0 =	simm.s32 $0x18700  }
0x10: {  	s7 =	simm.s32 $0x0;
	[dreg:$0x5] =	wrdreg s11;
	s14 =	sadd.s32 $0x18800, s11  }
0x11: {  	s11 =	smul.u32 $0x30E00, s13;
	s26 =	smax.u32 s28, $0x1;
	[dreg:$0x6] =	wrdreg s14  }
0x12: {  	s28 =	sshll.u32 s13, $0x6;
	s17 =	sshrl.u32 s9, $0x3;
	[dreg:$0x7] =	wrdreg s26  }
0x13: {  	v0 =	vmov s15;
	s14 =	simm.s32 $0x5;
	s16 =	sor.u32 $0x1C05, s28;
	s26 =	simm.s32 $0x4  }
.LBB2_1:
0x14: {  	[dreg:$0x8] =	wrdreg s7  }
0x15: {  	s4 =	simm.s32 $0x0;
	s15 =	rddreg [dreg:$0x5]  }
0x16: {  	[tilespmem:s4], [sflag:$0x5] =	stream.linear.gather [hbm4b:s15+s4], $0xC400, $0x38;
	[tilespmem:$0x1F9C0] =	vst v63  }
0x17: {  	_ =	swait.ge [sflag:s14], $0xC400  }
0x18: {  	[sflag:s14] =	ssyncset.done $0x0  }
0x19: {  	s8 =	simm.s32 $0xC400;
	s28 =	rddreg [dreg:$0x6];
	[sflag:s14] =	ssyncadd.s32 $0xFFFF3C00  }
0x1a: {  	[tilespmem:s8], [sflag:$0x5] =	stream.linear.gather [hbm4b:s28+s4], $0xC400, $0x38;
	[tilespmem:$0x1F9C0] =	vst v63  }
0x1b: {  	_ =	swait.ge [sflag:s14], $0xC400  }
0x1c: {  	[sflag:s14] =	ssyncset.done $0x0  }
0x1d: {  	p2 =	por $0x1, $0x1;
	s4 =	simm.s32 $0x0;
	[sflag:s14] =	ssyncadd.s32 $0xFFFF3C00  }
.LBB2_2:
.Ltmp0:
0x1e: {  	(pc) =	sbr.rel @!p2 .LBB2_6-.Ltmp0, $4  }
0x1f: {  	[spmem:s17], [sflag:s16] =	dma.local [hbm:s5], $0xC38  }
0x20: {  	_ =	swait.ge [sflag:s14], $0xC38  }
0x21: {  	[sflag:s14] =	ssyncset.done $0x0  }
0x22: {  	p1 =	por p2, p2;
	[sflag:s14] =	ssyncadd.s32 $0xFFFFF3C8  }
0x23: {  	s8 =	simm.s32 $0x0  }
0x24: {  	v2 =	vld [tilespmem:s8+$0x0]  }
0x25: {  	v3 =	vld [tilespmem:s8+$0x10]  }
0x26: {  	v5 =	vld [tilespmem:s8+$0x20]  }
0x27: {  	v4 =	vld [tilespmem:s8+$0x30]  }
0x28: {  	v1 =	vld [tilespmem:s8+$0x40]  }
0x29: {  	v6 =	vshll.u32 v2, $0x2;
	v2 =	vld [tilespmem:s8+$0x50]  }
0x2a: {  	s7 =	simm.s32 $0x200;
	v7 =	vshll.u32 v3, $0x2;
	v3 =	vld [tilespmem:s8+$0x60];
	v6 =	vor.u32 v0, v6  }
.LBB2_4:
0x2b: {  	s13 =	sshra.s32 s7, $0x2;
	p2 =	seq.s32 s7, $0x30E00;
	[tilespmem:s8+$0x0] =	vst v6;
	v6 =	vor.u32 v0, v7;
	v5 =	vshll.u32 v5, $0x2;
	v7 =	vld [tilespmem:s8+$0x70]  }
0x2c: {  	v8 =	vld [tilespmem:s13+$0x0];
	[tilespmem:s8+$0x10] =	vst v6;
	v5 =	vor.u32 v0, v5;
	v4 =	vshll.u32 v4, $0x2  }
0x2d: {  	v9 =	vld [tilespmem:s13+$0x10];
	[tilespmem:s8+$0x20] =	vst v5;
	v4 =	vor.u32 v0, v4;
	v1 =	vshll.u32 v1, $0x2  }
.Ltmp1:
0x2e: {  	v5 =	vld [tilespmem:s13+$0x20];
	[tilespmem:s8+$0x30] =	vst v4;
	v1 =	vor.u32 v0, v1;
	v2 =	vshll.u32 v2, $0x2;
	(pc) =	sbr.rel @!p2 .LBB2_4-.Ltmp1, $4  }
0x2f: {  	v4 =	vld [tilespmem:s13+$0x30];
	[tilespmem:s8+$0x40] =	vst v1;
	v2 =	vor.u32 v0, v2;
	v3 =	vshll.u32 v3, $0x2  }
0x30: {  	v1 =	vld [tilespmem:s13+$0x40];
	[tilespmem:s8+$0x50] =	vst v2;
	v3 =	vor.u32 v0, v3;
	v6 =	vshll.u32 v7, $0x2  }
0x31: {  	v7 =	vshll.u32 v8, $0x2;
	v2 =	vld [tilespmem:s13+$0x50];
	[tilespmem:s8+$0x60] =	vst v3;
	v8 =	vor.u32 v0, v6  }
0x32: {  	s7 =	sadd.s32 $0x200, s7;
	v6 =	vor.u32 v0, v7;
	v7 =	vshll.u32 v9, $0x2;
	v3 =	vld [tilespmem:s13+$0x60];
	[tilespmem:s8+$0x70] =	vst v8;
	s8 =	smov.u32 s13  }
0x33: {  	[tilespmem:s8+$0x0] =	vst v6;
	v62 =	vor.u32 v0, v7;
	v5 =	vshll.u32 v5, $0x2;
	v63 =	vld [tilespmem:s8+$0x70]  }
0x34: {  	[tilespmem:s8+$0x10] =	vst v62;
	v5 =	vor.u32 v0, v5;
	v4 =	vshll.u32 v4, $0x2  }
0x35: {  	[tilespmem:s8+$0x20] =	vst v5;
	v4 =	vor.u32 v0, v4;
	v1 =	vshll.u32 v1, $0x2  }
.Ltmp2:
0x36: {  	[tilespmem:s8+$0x30] =	vst v4;
	v1 =	vor.u32 v0, v1;
	v2 =	vshll.u32 v2, $0x2;
	(pc) =	sbr.rel .LBB2_9-.Ltmp2, $4  }
0x37: {  	[tilespmem:s8+$0x40] =	vst v1;
	v1 =	vor.u32 v0, v2;
	v2 =	vshll.u32 v3, $0x2  }
0x38: {  	[tilespmem:s8+$0x50] =	vst v1;
	v1 =	vor.u32 v0, v2;
	v2 =	vshll.u32 v63, $0x2  }
0x39: {  	[tilespmem:s8+$0x60] =	vst v1;
	v1 =	vor.u32 v0, v2  }
0x3a: {  	[tilespmem:s8+$0x70] =	vst v1  }
.LBB2_6:
0x3b: {  	s7 =	simm.s32 $0x0  }
0x3c: {  	v3 =	vld [tilespmem:s7+$0x0]  }
0x3d: {  	v5 =	vld [tilespmem:s7+$0x10]  }
0x3e: {  	v4 =	vld [tilespmem:s7+$0x20]  }
0x3f: {  	v2 =	vld [tilespmem:s7+$0x30]  }
0x40: {  	v1 =	vld [tilespmem:s7+$0x40]  }
0x41: {  	v6 =	vadd.s32 $0x1, v3;
	v3 =	vld [tilespmem:s7+$0x50]  }
0x42: {  	s8 =	simm.s32 $0x200;
	[tilespmem:s7+$0x0] =	vst v6;
	v6 =	vadd.s32 $0x1, v5;
	v5 =	vld [tilespmem:s7+$0x60]  }
.LBB2_7:
0x43: {  	s13 =	sshra.s32 s8, $0x2;
	p2 =	sne.s32 s8, $0x30E00;
	[tilespmem:s7+$0x10] =	vst v6;
	v4 =	vadd.s32 $0x1, v4;
	v6 =	vld [tilespmem:s7+$0x70]  }
0x44: {  	v7 =	vld [tilespmem:s13+$0x0];
	[tilespmem:s7+$0x20] =	vst v4;
	v2 =	vadd.s32 $0x1, v2  }
0x45: {  	v8 =	vld [tilespmem:s13+$0x10];
	[tilespmem:s7+$0x30] =	vst v2;
	v1 =	vadd.s32 $0x1, v1  }
.Ltmp3:
0x46: {  	v4 =	vld [tilespmem:s13+$0x20];
	[tilespmem:s7+$0x40] =	vst v1;
	v1 =	vadd.s32 $0x1, v3;
	(pc) =	sbr.rel @p2 .LBB2_7-.Ltmp3, $4  }
0x47: {  	v2 =	vld [tilespmem:s13+$0x30];
	[tilespmem:s7+$0x50] =	vst v1;
	v3 =	vadd.s32 $0x1, v5  }
0x48: {  	v1 =	vld [tilespmem:s13+$0x40];
	[tilespmem:s7+$0x60] =	vst v3;
	v5 =	vadd.s32 $0x1, v6  }
0x49: {  	v6 =	vadd.s32 $0x1, v7;
	v3 =	vld [tilespmem:s13+$0x50];
	[tilespmem:s7+$0x70] =	vst v5;
	s7 =	smov.u32 s13  }
0x4a: {  	s8 =	sadd.s32 $0x200, s8;
	[tilespmem:s7+$0x0] =	vst v6;
	v6 =	vadd.s32 $0x1, v8;
	v5 =	vld [tilespmem:s7+$0x60]  }
0x4b: {  	[tilespmem:s7+$0x10] =	vst v6;
	v4 =	vadd.s32 $0x1, v4;
	v63 =	vld [tilespmem:s7+$0x70]  }
0x4c: {  	[tilespmem:s7+$0x20] =	vst v4;
	v2 =	vadd.s32 $0x1, v2  }
0x4d: {  	[tilespmem:s7+$0x30] =	vst v2;
	v1 =	vadd.s32 $0x1, v1  }
0x4e: {  	[tilespmem:s7+$0x40] =	vst v1;
	v1 =	vadd.s32 $0x1, v3  }
0x4f: {  	[tilespmem:s7+$0x50] =	vst v1;
	v1 =	vadd.s32 $0x1, v5  }
0x50: {  	[tilespmem:s7+$0x60] =	vst v1;
	v1 =	vadd.s32 $0x1, v63  }
0x51: {  	[tilespmem:s7+$0x70] =	vst v1  }
.LBB2_9:
0x52: {  	[bflag:$0x0] =	sbarrier.arrive $0xFFFF;
	s7 =	simm.s32 $0x0  }
0x53: {  	[tilespmem:s19], [sflag:$0x1] =	stream.indirect.gather [hbm4b:s1+s18], $0x8, s7, s18, $0xb8;
	[tilespmem:$0x1F9C0] =	vst v63  }
0x54: {  	_ = 	snop  }
0x55: {  	[tilespmem:s20], [sflag:$0x1] =	stream.indirect.gather [hbm4b:s1+s18], $0x8, s18, s18, $0xb8;
	[tilespmem:$0x1F9C0] =	vst v63  }
0x56: {  	s8 =	simm.s32 $0x100  }
0x57: {  	[tilespmem:s21], [sflag:$0x2] =	stream.indirect.gather [hbm4b:s1+s18], $0x8, s8, s18, $0xb8;
	[tilespmem:$0x1F9C0] =	vst v63  }
0x58: {  	s13 =	simm.s32 $0x180  }
0x59: {  	[tilespmem:s22], [sflag:$0x2] =	stream.indirect.gather [hbm4b:s1+s18], $0x8, s13, s18, $0xb8;
	[tilespmem:$0x1F9C0] =	vst v63  }
0x5a: {  	_ =	swait.ge [sflag:s23], $0x400  }
0x5b: {  	[sflag:s23] =	ssyncset.done $0x0  }
0x5c: {  	[sflag:s23] =	ssyncadd.s32 $0xFFFFFC00  }
0x5d: {  	_ =	swait.ge [sflag:s23], $0x400  }
0x5e: {  	[sflag:s23] =	ssyncset.done $0x0  }
0x5f: {  	s15 =	simm.s32 $0xC400;
	[sflag:s23] =	ssyncadd.s32 $0xFFFFFC00  }
0x60: {  	[spmem:s3] =	stream.indirect.scatter.add.bf16 [tilespmem:s19], [sflag:$0x3], $0x8, s15, s18, $0xb8;
	[tilespmem:$0x1F9C0] =	vst v63  }
0x61: {  	s28 =	simm.s32 $0xC480  }
0x62: {  	[spmem:s3] =	stream.indirect.scatter.add.bf16 [tilespmem:s20], [sflag:$0x3], $0x8, s28, s18, $0xb8;
	[tilespmem:$0x1F9C0] =	vst v63  }
0x63: {  	_ =	swait.ge [sflag:s24], $0x400  }
0x64: {  	[sflag:s24] =	ssyncset.done $0x0  }
0x65: {  	[sflag:s24] =	ssyncadd.s32 $0xFFFFFC00  }
0x66: {  	_ =	swait.ge [sflag:s24], $0x400  }
0x67: {  	[sflag:s24] =	ssyncset.done $0x0  }
0x68: {  	s8 =	simm.s32 $0xC500;
	[sflag:s24] =	ssyncadd.s32 $0xFFFFFC00  }
0x69: {  	[spmem:s3] =	stream.indirect.scatter.add.bf16 [tilespmem:s21], [sflag:$0x4], $0x8, s8, s18, $0xb8;
	[tilespmem:$0x1F9C0] =	vst v63  }
0x6a: {  	s13 =	simm.s32 $0xC580  }
0x6b: {  	[spmem:s3] =	stream.indirect.scatter.add.bf16 [tilespmem:s22], [sflag:$0x4], $0x8, s13, s18, $0xb8;
	[tilespmem:$0x1F9C0] =	vst v63  }
0x6c: {  	_ =	swait.ge [sflag:s25], $0x400  }
0x6d: {  	[sflag:s25] =	ssyncset.done $0x0  }
0x6e: {  	[sflag:s25] =	ssyncadd.s32 $0xFFFFFC00  }
0x6f: {  	_ =	swait.ge [sflag:s25], $0x400  }
0x70: {  	[sflag:s25] =	ssyncset.done $0x0  }
0x71: {  	s15 =	simm.s32 $0x200;
	[sflag:s25] =	ssyncadd.s32 $0xFFFFFC00  }
0x72: {  	[tilespmem:s19], [sflag:$0x1] =	stream.indirect.gather [hbm4b:s1+s18], $0x8, s15, s18, $0xb8;
	[tilespmem:$0x1F9C0] =	vst v63  }
0x73: {  	s28 =	simm.s32 $0x280  }
0x74: {  	[tilespmem:s20], [sflag:$0x1] =	stream.indirect.gather [hbm4b:s1+s18], $0x8, s28, s18, $0xb8;
	[tilespmem:$0x1F9C0] =	vst v63  }
0x75: {  	_ =	swait.ge [sflag:s26], $0x400  }
0x76: {  	[sflag:s26] =	ssyncset.done $0x0  }
0x77: {  	[sflag:s26] =	ssyncadd.s32 $0xFFFFFC00  }
0x78: {  	_ =	swait.ge [sflag:s26], $0x400  }
0x79: {  	s8 =	simm.s32 $0x200;
	s13 =	simm.s32 $0x1000;
	[sflag:s26] =	ssyncset.done $0x0  }
.LBB2_10:
0x7a: {  	s28 =	sadd.s32 $0x100, s8  }
0x7b: {  	[sflag:s26] =	ssyncadd.s32 $0xFFFFFC00;
	s7 =	smov.u32 s13;
	s15 =	sadd.s32 $0x800, s13  }
0x7c: {  	[tilespmem:s21], [sflag:$0x2] =	stream.indirect.gather [hbm4b:s1+s18], $0x8, s28, s18, $0xb8;
	[tilespmem:$0x1F9C0] =	vst v63  }
0x7d: {  	p2 =	sne.s32 s13, $0x30000;
	s13 =	sadd.s32 $0x180, s8  }
0x7e: {  	[tilespmem:s22], [sflag:$0x2] =	stream.indirect.gather [hbm4b:s1+s18], $0x8, s13, s18, $0xb8;
	[tilespmem:$0x1F9C0] =	vst v63  }
0x7f: {  	_ =	swait.ge [sflag:s23], $0x400  }
0x80: {  	[sflag:s23] =	ssyncset.done $0x0  }
0x81: {  	[sflag:s23] =	ssyncadd.s32 $0xFFFFFC00  }
0x82: {  	_ =	swait.ge [sflag:s23], $0x400  }
0x83: {  	[sflag:s23] =	ssyncset.done $0x0  }
0x84: {  	s13 =	sadd.s32 $0xC400, s8;
	[sflag:s23] =	ssyncadd.s32 $0xFFFFFC00  }
0x85: {  	[spmem:s3] =	stream.indirect.scatter.add.bf16 [tilespmem:s19], [sflag:$0x3], $0x8, s13, s18, $0xb8;
	[tilespmem:$0x1F9C0] =	vst v63  }
0x86: {  	s13 =	sadd.s32 $0xC480, s8  }
0x87: {  	[spmem:s3] =	stream.indirect.scatter.add.bf16 [tilespmem:s20], [sflag:$0x3], $0x8, s13, s18, $0xb8;
	[tilespmem:$0x1F9C0] =	vst v63  }
0x88: {  	_ =	swait.ge [sflag:s24], $0x400  }
0x89: {  	[sflag:s24] =	ssyncset.done $0x0  }
0x8a: {  	[sflag:s24] =	ssyncadd.s32 $0xFFFFFC00  }
0x8b: {  	_ =	swait.ge [sflag:s24], $0x400  }
0x8c: {  	[sflag:s24] =	ssyncset.done $0x0  }
0x8d: {  	s13 =	sadd.s32 $0xC500, s8;
	[sflag:s24] =	ssyncadd.s32 $0xFFFFFC00  }
0x8e: {  	[spmem:s3] =	stream.indirect.scatter.add.bf16 [tilespmem:s21], [sflag:$0x4], $0x8, s13, s18, $0xb8;
	[tilespmem:$0x1F9C0] =	vst v63  }
0x8f: {  	s13 =	sadd.s32 $0xC580, s8  }
0x90: {  	[spmem:s3] =	stream.indirect.scatter.add.bf16 [tilespmem:s22], [sflag:$0x4], $0x8, s13, s18, $0xb8;
	[tilespmem:$0x1F9C0] =	vst v63  }
0x91: {  	_ =	swait.ge [sflag:s25], $0x400  }
0x92: {  	[sflag:s25] =	ssyncset.done $0x0  }
0x93: {  	[sflag:s25] =	ssyncadd.s32 $0xFFFFFC00  }
0x94: {  	_ =	swait.ge [sflag:s25], $0x400  }
0x95: {  	[sflag:s25] =	ssyncset.done $0x0  }
0x96: {  	s13 =	sadd.s32 $0x200, s8;
	[sflag:s25] =	ssyncadd.s32 $0xFFFFFC00  }
0x97: {  	[tilespmem:s19], [sflag:$0x1] =	stream.indirect.gather [hbm4b:s1+s18], $0x8, s13, s18, $0xb8;
	[tilespmem:$0x1F9C0] =	vst v63  }
0x98: {  	s8 =	sadd.s32 $0x280, s8  }
0x99: {  	[tilespmem:s20], [sflag:$0x1] =	stream.indirect.gather [hbm4b:s1+s18], $0x8, s8, s18, $0xb8;
	[tilespmem:$0x1F9C0] =	vst v63  }
.Ltmp4:
0x9a: {  	_ =	swait.ge [sflag:s26], $0x400;
	(pc) =	sbr.rel @p2 .LBB2_10-.Ltmp4, $4  }
0x9b: {  	[sflag:s26] =	ssyncset.done $0x0  }
0x9c: {  	[sflag:s26] =	ssyncadd.s32 $0xFFFFFC00  }
0x9d: {  	_ =	swait.ge [sflag:s26], $0x400  }
0x9e: {  	s13 =	smov.u32 s15;
	s8 =	sshra.s32 s7, $0x2;
	[sflag:s26] =	ssyncset.done $0x0  }
0x9f: {  	s7 =	sadd.s32 $0x100, s8;
	[sflag:s26] =	ssyncadd.s32 $0xFFFFFC00  }
0xa0: {  	[tilespmem:s21], [sflag:$0x2] =	stream.indirect.gather [hbm4b:s1+s18], $0x8, s7, s18, $0xb8;
	[tilespmem:$0x1F9C0] =	vst v63  }
0xa1: {  	s15 =	sadd.s32 $0x180, s8  }
0xa2: {  	[tilespmem:s22], [sflag:$0x2] =	stream.indirect.gather [hbm4b:s1+s18], $0x8, s15, s18, $0xb8;
	[tilespmem:$0x1F9C0] =	vst v63  }
0xa3: {  	_ =	swait.ge [sflag:s23], $0x400  }
0xa4: {  	[sflag:s23] =	ssyncset.done $0x0  }
0xa5: {  	[sflag:s23] =	ssyncadd.s32 $0xFFFFFC00  }
0xa6: {  	_ =	swait.ge [sflag:s23], $0x400  }
0xa7: {  	[sflag:s23] =	ssyncset.done $0x0  }
0xa8: {  	s28 =	sadd.s32 $0xC400, s8;
	[sflag:s23] =	ssyncadd.s32 $0xFFFFFC00  }
0xa9: {  	[spmem:s3] =	stream.indirect.scatter.add.bf16 [tilespmem:s19], [sflag:$0x3], $0x8, s28, s18, $0xb8;
	[tilespmem:$0x1F9C0] =	vst v63  }
0xaa: {  	s13 =	sadd.s32 $0xC480, s8  }
0xab: {  	[spmem:s3] =	stream.indirect.scatter.add.bf16 [tilespmem:s20], [sflag:$0x3], $0x8, s13, s18, $0xb8;
	[tilespmem:$0x1F9C0] =	vst v63  }
0xac: {  	_ =	swait.ge [sflag:s24], $0x400  }
0xad: {  	[sflag:s24] =	ssyncset.done $0x0  }
0xae: {  	[sflag:s24] =	ssyncadd.s32 $0xFFFFFC00  }
0xaf: {  	_ =	swait.ge [sflag:s24], $0x400  }
0xb0: {  	[sflag:s24] =	ssyncset.done $0x0  }
0xb1: {  	s15 =	sadd.s32 $0xC500, s8;
	[sflag:s24] =	ssyncadd.s32 $0xFFFFFC00  }
0xb2: {  	[spmem:s3] =	stream.indirect.scatter.add.bf16 [tilespmem:s21], [sflag:$0x4], $0x8, s15, s18, $0xb8;
	[tilespmem:$0x1F9C0] =	vst v63  }
0xb3: {  	s28 =	sadd.s32 $0xC580, s8  }
0xb4: {  	[spmem:s3] =	stream.indirect.scatter.add.bf16 [tilespmem:s22], [sflag:$0x4], $0x8, s28, s18, $0xb8;
	[tilespmem:$0x1F9C0] =	vst v63  }
0xb5: {  	_ =	swait.ge [sflag:s25], $0x400  }
0xb6: {  	[sflag:s25] =	ssyncset.done $0x0  }
0xb7: {  	[sflag:s25] =	ssyncadd.s32 $0xFFFFFC00  }
0xb8: {  	_ =	swait.ge [sflag:s25], $0x400  }
0xb9: {  	[sflag:s25] =	ssyncset.done $0x0  }
0xba: {  	s13 =	sadd.s32 $0x200, s8;
	[sflag:s25] =	ssyncadd.s32 $0xFFFFFC00  }
0xbb: {  	[tilespmem:s19], [sflag:$0x1] =	stream.indirect.gather [hbm4b:s1+s18], $0x8, s13, s18, $0xb8;
	[tilespmem:$0x1F9C0] =	vst v63  }
0xbc: {  	s15 =	sadd.s32 $0x280, s8  }
0xbd: {  	[tilespmem:s20], [sflag:$0x1] =	stream.indirect.gather [hbm4b:s1+s18], $0x8, s15, s18, $0xb8;
	[tilespmem:$0x1F9C0] =	vst v63  }
0xbe: {  	_ =	swait.ge [sflag:s26], $0x400  }
0xbf: {  	[sflag:s26] =	ssyncset.done $0x0  }
0xc0: {  	[sflag:s26] =	ssyncadd.s32 $0xFFFFFC00  }
0xc1: {  	_ =	swait.ge [sflag:s26], $0x400  }
0xc2: {  	[sflag:s26] =	ssyncset.done $0x0  }
0xc3: {  	s28 =	simm.s32 $0xC300;
	[sflag:s26] =	ssyncadd.s32 $0xFFFFFC00  }
0xc4: {  	[tilespmem:s21], [sflag:$0x2] =	stream.indirect.gather [hbm4b:s1+s18], $0x8, s28, s18, $0xb8;
	[tilespmem:$0x1F9C0] =	vst v63  }
0xc5: {  	_ = 	snop  }
0xc6: {  	[tilespmem:s22], [sflag:$0x2] =	stream.indirect.gather [hbm4b:s1+s18], $0x8, s29, s18, $0xb8;
	[tilespmem:$0x1F9C0] =	vst v63  }
0xc7: {  	_ =	swait.ge [sflag:s23], $0x400  }
0xc8: {  	[sflag:s23] =	ssyncset.done $0x0  }
0xc9: {  	[sflag:s23] =	ssyncadd.s32 $0xFFFFFC00  }
0xca: {  	_ =	swait.ge [sflag:s23], $0x400  }
0xcb: {  	[sflag:s23] =	ssyncset.done $0x0  }
0xcc: {  	[sflag:s23] =	ssyncadd.s32 $0xFFFFFC00  }
0xcd: {  	[spmem:s3] =	stream.indirect.scatter.add.bf16 [tilespmem:s19], [sflag:$0x3], $0x8, s30, s18, $0xb8;
	[tilespmem:$0x1F9C0] =	vst v63  }
0xce: {  	_ = 	snop  }
0xcf: {  	[spmem:s3] =	stream.indirect.scatter.add.bf16 [tilespmem:s20], [sflag:$0x3], $0x8, s31, s18, $0xb8;
	[tilespmem:$0x1F9C0] =	vst v63  }
0xd0: {  	_ =	swait.ge [sflag:s24], $0x400  }
0xd1: {  	[sflag:s24] =	ssyncset.done $0x0  }
0xd2: {  	[sflag:s24] =	ssyncadd.s32 $0xFFFFFC00  }
0xd3: {  	_ =	swait.ge [sflag:s24], $0x400  }
0xd4: {  	[sflag:s24] =	ssyncset.done $0x0  }
0xd5: {  	[sflag:s24] =	ssyncadd.s32 $0xFFFFFC00  }
0xd6: {  	[spmem:s3] =	stream.indirect.scatter.add.bf16 [tilespmem:s21], [sflag:$0x4], $0x8, s0, s18, $0xb8;
	[tilespmem:$0x1F9C0] =	vst v63  }
0xd7: {  	_ = 	snop  }
0xd8: {  	[spmem:s3] =	stream.indirect.scatter.add.bf16 [tilespmem:s22], [sflag:$0x4], $0x8, s2, s18, $0xb8;
	[tilespmem:$0x1F9C0] =	vst v63  }
0xd9: {  	_ =	swait.ge [sflag:s25], $0x400  }
0xda: {  	[sflag:s25] =	ssyncset.done $0x0  }
0xdb: {  	[sflag:s25] =	ssyncadd.s32 $0xFFFFFC00  }
0xdc: {  	_ =	swait.ge [sflag:s25], $0x400  }
0xdd: {  	[sflag:s25] =	ssyncset.done $0x0  }
0xde: {  	[sflag:s25] =	ssyncadd.s32 $0xFFFFFC00  }
0xdf: {  	_ =	swait.ge [sflag:s26], $0x400  }
0xe0: {  	[sflag:s26] =	ssyncset.done $0x0  }
0xe1: {  	s4 =	sor.u32 s10, s4;
	[sflag:s26] =	ssyncadd.s32 $0xFFFFFC00  }
0xe2: {  	s7 =	sor.u32 @p0 s11, s4;
	_ =	swait.ge [sflag:s26], $0x400  }
0xe3: {  	s7 =	sshrl.u32 @p0 s7, $0x4;
	[sflag:s26] =	ssyncset.done $0x0  }
0xe4: {  	s7 =	sadd.s32 @p0 s6, s7;
	s8 =	sshrl.u32 @p0 s9, $0x3;
	[sflag:s26] =	ssyncadd.s32 $0xFFFFFC00  }
0xe5: {  	s13 =	simm.s32 @p0 $0x4;
	s15 =	simm.s32 @p0 $0x1;
	[bflag:$0x0] =	sbarrier.arrive $0xFFFF  }
0xe6: {  	[hbm:s7@s13], [sflag:s16] =	dma.strided @p0 [spmem:s8@s15], $0xC38, s15, $0x1   }
0xe7: {  	s7 =	simm.s32 @p0 $0x5  }
0xe8: {  	s4 =	sshrl.u32 @!p0 s4, $0x4;
	_ =	swait.ge @p0 [sflag:s7], $0xC38  }
0xe9: {  	s4 =	sadd.s32 @!p0 s4, s12;
	s8 =	simm.s32 @!p0 $0x4;
	[sflag:s7] =	ssyncset.done @p0 $0x0  }
0xea: {  	s13 =	simm.s32 @!p0 $0x1;
	[sflag:s7] =	ssyncadd.s32 @p0 $0xFFFFF3C8;
	s7 =	sshrl.u32 @!p0 s9, $0x3  }
0xeb: {  	[hbm:s4@s8], [sflag:s16] =	dma.strided @!p0 [spmem:s7@s13], $0xC08, s13, $0x1   }
0xec: {  	s4 =	simm.s32 @!p0 $0x5  }
.Ltmp5:
0xed: {  	_ =	swait.ge @!p0 [sflag:s4], $0xC08;
	(pc) =	sbr.rel @p1 .LBB2_2-.Ltmp5, $4  }
0xee: {  	[sflag:s4] =	ssyncset.done @!p0 $0x0  }
0xef: {  	[sflag:s4] =	ssyncadd.s32 @!p0 $0xFFFFF3F8  }
0xf0: {  	[bflag:$0x0] =	sbarrier.arrive $0xFFFF  }
0xf1: {  	p2 =	por $0x0, $0x0;
	s4 =	simm.s32 $0x10  }
0xf2: {  	s7 =	rddreg [dreg:$0x8]  }
0xf3: {  	s4 =	rddreg [dreg:$0x7];
	s7 =	sadd.s32 $0x1, s7  }
0xf4: {  	p1 =	sne.s32 s7, s4  }
.Ltmp6:
0xf5: {  	_ = 	snop;
	(pc) =	sbr.rel @p1 .LBB2_1-.Ltmp6, $1  }
0xf6: {  	_ =	sdelay $0x3  }
0xf7: {  	_ =	sfence.sel $0x180000  }
0xf8: {  	[bflag:$0x0] =	sbarrier.arrive $0xFFFF  }
0xf9: {  	_ =	strace $0x90000047  }
0xfa: {  	s0 =	stileid.u32;
	[bflag:$0x2] =	sbarrier.arrive $0xFFFF  }
0xfb: {  	p0 =	sne.s32 s0, $0x0;
	s0 =	rddreg [dreg:$0x4]  }
0xfc: {  	s0 =	sadd.s32 @!p0 $0x100000, s0  }
0xfd: {  	[sflag:s0] =	ssyncadd.tile.s32 @!p0 $0x1;
	_ =	shalt  }
.Lfunc_end2:
_tile_overlayer_lowered:
.L_overlay_start_2:
0xfe: {  	(tag) =	ssettag $0x2  }
0xff: {  	s0 =	rddreg [dreg:$0x0];
	s2 =	stileid.u32  }
0x100: {  	s1 =	rddreg [dreg:$0x1];
	p0 =	sne.s32 s2, $0x0  }
0x101: {  	s3 =	rddreg [dreg:$0x2];
	[bflag:$0x3] =	sbarrier.arrive $0xFFFF;
	s2 =	simm.s32 @!p0 $0x1C05  }
0x102: {  	[timem:s3], [sflag:s2] =	dma.local @!p0 [hbm:s0], s1  }
0x103: {  	s0 =	simm.s32 @!p0 $0x5  }
0x104: {  	_ =	swait.ge @!p0 [sflag:s0], s1  }
0x105: {  	s1 =	ssub.s32 @!p0 $0x0, s1;
	[sflag:s0] =	ssyncset.done @!p0 $0x0  }
0x106: {  	[sflag:s0] =	ssyncadd.s32 @!p0 s1  }
0x107: {  	[bflag:$0x3] =	sbarrier.arrive $0xFFFF  }
0x108: {  	_ =	shalt  }

</sc_bundles>
